<compile_context>
chip_gen: v7x
topology: tpu7x:2x2x1
jax: 0.10.2.dev20260603
libtpu: 0.0.44.dev20260713+nightly
codegen_flags: <defaults>
</compile_context>

<pallas_src>
import functools

import jax
import jax.numpy as jnp
from jax import lax
from jax.experimental import pallas as pl
from jax.experimental.pallas import tpu as pltpu
from jax.experimental.pallas import tpu_sc as plsc

NEGINF = -1e30

NW = 32
ROWS_PW = 40
NROWS = NW * ROWS_PW


def _lse_body(x_ref, lse_ref):
    xb = x_ref[0]
    lse_ref[0] = jnp.log(jnp.sum(jnp.exp(xb), axis=-1))


def _sc_gather_body(xflat_hbm, idx_hbm, out_hbm, idx_v, gat_v, sem):
    c = lax.axis_index("c")
    s = lax.axis_index("s")
    wid = s * 2 + c
    base = wid * ROWS_PW
    pltpu.sync_copy(idx_hbm.at[pl.ds(base, ROWS_PW)], idx_v)
    for g in range(0, ROWS_PW, 20):
        hi = min(g + 20, ROWS_PW)
        handles = [
            pltpu.async_copy(xflat_hbm.at[idx_v.at[j]], gat_v.at[j], sem)
            for j in range(g, hi)
        ]
        for h in handles:
            h.wait()
    pltpu.sync_copy(gat_v, out_hbm.at[pl.ds(base, ROWS_PW)])


def _sc_gather(xflat, idx):
    kfn = functools.partial(
        pl.kernel,
        out_type=jax.ShapeDtypeStruct((NROWS, 128), jnp.float32),
        mesh=plsc.VectorSubcoreMesh(core_axis_name="c", subcore_axis_name="s"),
        scratch_types=[
            pltpu.VMEM((ROWS_PW, 128), jnp.int32),
            pltpu.VMEM((ROWS_PW, 128), jnp.float32),
            pltpu.SemaphoreType.DMA,
        ],
    )(_sc_gather_body)
    return kfn(xflat, idx)


def _dp_body(xb_ref, xl_ref, ls_ref, fl_ref, yl_ref, out_ref):
    R, B, T = xb_ref.shape
    U = 65
    tstar = fl_ref[...] - 1
    dstar = tstar + yl_ref[...]
    tio = lax.broadcasted_iota(jnp.int32, (B, T), 1)

    e0 = jnp.where(tio == 0, 0.0, NEGINF).astype(jnp.float32)
    acc0 = jnp.zeros((B, T), jnp.float32)

    def lae(a, b):
        mx = jnp.maximum(a, b)
        mn = jnp.minimum(a, b)
        return mx + jnp.log1p(jnp.exp(mn - mx))

    def step(d, carry):
        e, acc = carry
        brow_p = xb_ref[d - 1] - ls_ref[d - 1]
        erow_p = xl_ref[d - 1] - ls_ref[d - 1]
        erow_p = jnp.where(tio == d - U, NEGINF, erow_p)
        t1 = e + brow_p
        t1 = jnp.concatenate(
            [jnp.full((B, 1), NEGINF, jnp.float32), t1[:, : T - 1]], axis=1)
        e_new = lae(t1, e + erow_p)
        brow_d = xb_ref[d] - ls_ref[d]
        hit = (dstar == d) & (tio == tstar)
        acc = acc + jnp.where(hit, e_new + brow_d, 0.0)
        return e_new, acc

    _, acc = lax.fori_loop(1, R, step, (e0, acc0))
    out_ref[0, :] = -jnp.sum(acc, axis=1)


def _skew(m, T, U, R, pad_val):
    B = m.shape[0]
    pad = jnp.full((B, T, T), pad_val, m.dtype)
    flat = jnp.concatenate([m, pad], axis=2).reshape(B, T * (U + T))
    m2 = flat[:, : T * R].reshape(B, T, R)
    return jnp.transpose(m2, (2, 0, 1))


def kernel(x, label, f_len, y_len, blank_idx):
    B, T, U, H = x.shape
    Tt = 16
    R = T + U - 1
    n_lat = B * T * U

    flat_base = (
        (lax.broadcasted_iota(jnp.int32, (B, T, U), 0) * T
         + lax.broadcasted_iota(jnp.int32, (B, T, U), 1)) * U
        + lax.broadcasted_iota(jnp.int32, (B, T, U), 2)) * H
    idx_blank = flat_base + jnp.asarray(blank_idx, jnp.int32)
    labels2 = jnp.concatenate(
        [label.astype(jnp.int32), jnp.zeros((B, 1), jnp.int32)], axis=1)
    idx_lab = flat_base + labels2[:, None, :]
    idx_all = jnp.concatenate([
        idx_blank.reshape(-1), idx_lab.reshape(-1),
        jnp.zeros((NROWS * 128 - 2 * n_lat,), jnp.int32)])
    idx_all = idx_all.reshape(NROWS, 128)

    gat = _sc_gather(x.reshape(-1), idx_all)
    gflat = gat.reshape(-1)
    xblank = gflat[:n_lat].reshape(B, T, U)
    xlab = gflat[n_lat:2 * n_lat].reshape(B, T, U)

    lse = pl.pallas_call(
        _lse_body,
        grid=(B, T // Tt),
        in_specs=[pl.BlockSpec((1, Tt, U, H), lambda b, t: (b, t, 0, 0))],
        out_specs=pl.BlockSpec((1, Tt, U), lambda b, t: (b, t, 0)),
        out_shape=jax.ShapeDtypeStruct((B, T, U), jnp.float32),
        compiler_params=pltpu.CompilerParams(
            dimension_semantics=("parallel", "parallel")),
    )(x)

    bd_xb = _skew(xblank, T, U, R, NEGINF)
    bd_xl = _skew(xlab, T, U, R, NEGINF)
    bd_ls = _skew(lse, T, U, R, 0.0)

    fl = f_len.astype(jnp.int32).reshape(B, 1)
    yl = y_len.astype(jnp.int32).reshape(B, 1)

    loss = pl.pallas_call(
        _dp_body,
        out_shape=jax.ShapeDtypeStruct((1, B), jnp.float32),
    )(bd_xb, bd_xl, bd_ls, fl, yl)
    return loss.reshape(B)

# --- scband reference (transcript-rebuilt; emitter-appended) ---
"""Pipeline reference for scband-transducer-loss-30794915512814 (READ-ONLY COPY).

The authoritative reference and input builder live on the scoring server;
editing this copy changes nothing except your own understanding.
"""

import jax, jax.numpy as jnp
import numpy as np

NEG = -1e30

def setup_inputs(seed: int = 0):
    key = jax.random.key(seed)
    ks = jax.random.split(key, 4)
    B, T, U, H = 8, 128, 65, 512
    x = jax.random.normal(ks[0], (B, T, U, H), dtype=jnp.float32)
    label = jax.random.randint(ks[1], (B, U - 1), 1, H, dtype=jnp.int32)
    f_len = jax.random.randint(ks[2], (B,), 16, T + 1, dtype=jnp.int32)
    y_len = jax.random.randint(ks[3], (B,), 8, U, dtype=jnp.int32)
    return {"x": x, "label": label, "f_len": f_len, "y_len": y_len, "blank_idx": 0}

def _transducer_loss(x, label, f_len, y_len, blank_idx):
    B, T, U, H = x.shape
    lp = jax.nn.log_softmax(x, axis=-1)
    lp_blank = lp[..., blank_idx]  # (B, T, U)
    idx = jnp.broadcast_to(label[:, None, :, None], (B, T, U - 1, 1))
    lp_emit = jnp.take_along_axis(lp[:, :, :U - 1, :], idx, axis=3)[..., 0]
    lp_emit = jnp.concatenate([lp_emit, jnp.full((B, T, 1), NEG, dtype=x.dtype)], axis=2)  # (B, T, U)
    seed = jnp.concatenate([jnp.zeros((B, 1), x.dtype), jnp.full((B, U - 1), NEG, x.dtype)], axis=1)
    blank_shift = jnp.concatenate([jnp.zeros((B, 1, U), x.dtype), lp_blank[:, :-1, :]], axis=1)

    def u_step(left, ins):
        top_u, emit_l = ins
        val = jnp.logaddexp(top_u, left + emit_l)
        return val, val

    def t_step(prev, xs):
        blank_prev, emit_t, first = xs
        top = jnp.where(first, seed, prev + blank_prev)
        row0 = top[:, 0]
        _, rest = jax.lax.scan(u_step, row0, (top[:, 1:].T, emit_t[:, :U - 1].T))
        row = jnp.concatenate([row0[:, None], rest.T], axis=1)
        return row, row

    xs = (jnp.swapaxes(blank_shift, 0, 1), jnp.swapaxes(lp_emit, 0, 1), jnp.arange(T) == 0)
    _, rows = jax.lax.scan(t_step, jnp.full((B, U), NEG, x.dtype), xs)
    alpha = jnp.swapaxes(rows, 0, 1)  # (B, T, U)
    bidx = jnp.arange(B)
    a_end = alpha[bidx, f_len - 1, y_len]
    lp_end = lp_blank[bidx, f_len - 1, y_len]
    return -(a_end + lp_end)

def reference(x, label, f_len, y_len, blank_idx):
    return _transducer_loss(x, label, f_len, y_len, blank_idx)

if __name__ == "__main__":
    import jax
    _d = setup_inputs()
    print(jax.jit(kernel)(*tuple(_d.values())))

</pallas_src>

<mosaic_0001>
#map = affine_map<(d0, d1) -> (0)>
#map1 = affine_map<(d0, d1) -> (0, 0)>
module attributes {stable_mosaic.version = 14 : i64} {
  func.func @_sc_gather_body(%arg0: i32, %arg1: i32, %arg2: memref<34078720xf32, #tpu.memory_space<hbm>>, %arg3: memref<1280x128xi32, #tpu.memory_space<hbm>>, %arg4: memref<1280x128xf32, #tpu.memory_space<hbm>>, %arg5: memref<40x128xi32, #tpu.memory_space<vmem>>, %arg6: memref<40x128xf32, #tpu.memory_space<vmem>>, %arg7: memref<!tpu.dma_semaphore, #tpu.memory_space<semaphore_mem>>) attributes {dimension_semantics = [#tpu.dimension_semantics<core_parallel>, #tpu.dimension_semantics<subcore_parallel>], iteration_bounds = array<i64: 2, 16>, scalar_prefetch = 0 : i64, scratch_operands = 3 : i64, tpu.core_type = #tpu.core_type<sc_vector_subcore>, window_params = [{transform_indices = #map}, {transform_indices = #map1}, {transform_indices = #map1}]} {
    %mul3A = arith.constant 2 : i32
    %mul3A_0 = arith.muli %arg1, %mul3A : i32
    %add3A = arith.addi %mul3A_0, %arg0 : i32
    %mul3A_1 = arith.constant 40 : i32
    %mul3A_2 = arith.muli %add3A, %mul3A_1 : i32
    "tpu.region"() ({
      %run_scoped3A = tpu.sem_alloc : memref<!tpu.dma_semaphore, #tpu.memory_space<semaphore_mem>>
      %dma_start3A_801 = arith.constant 0 : i32
      %dma_start3A_802 = tpu.memref_slice %arg3[%mul3A_2, %dma_start3A_801] : memref<1280x128xi32, #tpu.memory_space<hbm>> -> memref<40x128xi32, #tpu.memory_space<hbm>>
      %dma_start3A_803 = arith.constant 0 : i32
      %dma_start3A_804 = tpu.memref_slice %arg3[%mul3A_2, %dma_start3A_803] : memref<1280x128xi32, #tpu.memory_space<hbm>> -> memref<40x128xi32, #tpu.memory_space<hbm>>
      tpu.enqueue_dma source(%dma_start3A_804 : memref<40x128xi32, #tpu.memory_space<hbm>>) target(%arg5 : memref<40x128xi32, #tpu.memory_space<vmem>>) target_semaphore(%run_scoped3A : memref<!tpu.dma_semaphore, #tpu.memory_space<semaphore_mem>>)
      %dma_wait3A_805 = arith.constant 0 : i32
      %dma_wait3A_806 = tpu.memref_slice %arg3[%mul3A_2, %dma_wait3A_805] : memref<1280x128xi32, #tpu.memory_space<hbm>> -> memref<40x128xi32, #tpu.memory_space<hbm>>
      %dma_wait3A_807 = arith.constant 0 : i32
      %dma_wait3A_808 = tpu.memref_slice %arg3[%mul3A_2, %dma_wait3A_807] : memref<1280x128xi32, #tpu.memory_space<hbm>> -> memref<40x128xi32, #tpu.memory_space<hbm>>
      tpu.wait_dma2 semaphore(%run_scoped3A : memref<!tpu.dma_semaphore, #tpu.memory_space<semaphore_mem>>) src(%dma_wait3A_808 : memref<40x128xi32, #tpu.memory_space<hbm>>) dst(%arg5 : memref<40x128xi32, #tpu.memory_space<vmem>>)
      tpu.yield
    }) : () -> ()
    %dma_start3A = arith.constant 0 : i32
    %dma_start3A_3 = arith.constant 0 : i32
    %dma_start3A_4 = arith.constant 0 : i32
    %dma_start3A_5 = tpu.memref_slice %arg6[%dma_start3A_3, %dma_start3A_4] : memref<40x128xf32, #tpu.memory_space<vmem>> -> memref<1x128xf32, #tpu.memory_space<vmem>>
    %dma_start3A_6 = tpu.memref_squeeze %dma_start3A_5 : memref<1x128xf32, #tpu.memory_space<vmem>> -> memref<128xf32, #tpu.memory_space<vmem>>
    %dma_start3A_7 = arith.constant 0 : i32
    %dma_start3A_8 = tpu.memref_slice %arg5[%dma_start3A, %dma_start3A_7] : memref<40x128xi32, #tpu.memory_space<vmem>> -> memref<1x128xi32, #tpu.memory_space<vmem>>
    %dma_start3A_9 = tpu.memref_squeeze %dma_start3A_8 : memref<1x128xi32, #tpu.memory_space<vmem>> -> memref<128xi32, #tpu.memory_space<vmem>>
    %dma_start3A_10 = arith.constant 0 : i32
    %dma_start3A_11 = tpu.memref_slice %arg2[%dma_start3A_10] : memref<34078720xf32, #tpu.memory_space<hbm>> -> memref<34078720xf32, #tpu.memory_space<hbm>>
    tpu.enqueue_indirect_dma source(%dma_start3A_11 : memref<34078720xf32, #tpu.memory_space<hbm>>) target(%dma_start3A_6 : memref<128xf32, #tpu.memory_space<vmem>>) offsets(%dma_start3A_9 : memref<128xi32, #tpu.memory_space<vmem>>) semaphore(%arg7 : memref<!tpu.dma_semaphore, #tpu.memory_space<semaphore_mem>>)
    %dma_start3A_12 = arith.constant 1 : i32
    %dma_start3A_13 = arith.constant 1 : i32
    %dma_start3A_14 = arith.constant 0 : i32
    %dma_start3A_15 = tpu.memref_slice %arg6[%dma_start3A_13, %dma_start3A_14] : memref<40x128xf32, #tpu.memory_space<vmem>> -> memref<1x128xf32, #tpu.memory_space<vmem>>
    %dma_start3A_16 = tpu.memref_squeeze %dma_start3A_15 : memref<1x128xf32, #tpu.memory_space<vmem>> -> memref<128xf32, #tpu.memory_space<vmem>>
    %dma_start3A_17 = arith.constant 0 : i32
    %dma_start3A_18 = tpu.memref_slice %arg5[%dma_start3A_12, %dma_start3A_17] : memref<40x128xi32, #tpu.memory_space<vmem>> -> memref<1x128xi32, #tpu.memory_space<vmem>>
    %dma_start3A_19 = tpu.memref_squeeze %dma_start3A_18 : memref<1x128xi32, #tpu.memory_space<vmem>> -> memref<128xi32, #tpu.memory_space<vmem>>
    %dma_start3A_20 = arith.constant 0 : i32
    %dma_start3A_21 = tpu.memref_slice %arg2[%dma_start3A_20] : memref<34078720xf32, #tpu.memory_space<hbm>> -> memref<34078720xf32, #tpu.memory_space<hbm>>
    tpu.enqueue_indirect_dma source(%dma_start3A_21 : memref<34078720xf32, #tpu.memory_space<hbm>>) target(%dma_start3A_16 : memref<128xf32, #tpu.memory_space<vmem>>) offsets(%dma_start3A_19 : memref<128xi32, #tpu.memory_space<vmem>>) semaphore(%arg7 : memref<!tpu.dma_semaphore, #tpu.memory_space<semaphore_mem>>)
    %dma_start3A_22 = arith.constant 2 : i32
    %dma_start3A_23 = arith.constant 2 : i32
    %dma_start3A_24 = arith.constant 0 : i32
    %dma_start3A_25 = tpu.memref_slice %arg6[%dma_start3A_23, %dma_start3A_24] : memref<40x128xf32, #tpu.memory_space<vmem>> -> memref<1x128xf32, #tpu.memory_space<vmem>>
    %dma_start3A_26 = tpu.memref_squeeze %dma_start3A_25 : memref<1x128xf32, #tpu.memory_space<vmem>> -> memref<128xf32, #tpu.memory_space<vmem>>
    %dma_start3A_27 = arith.constant 0 : i32
    %dma_start3A_28 = tpu.memref_slice %arg5[%dma_start3A_22, %dma_start3A_27] : memref<40x128xi32, #tpu.memory_space<vmem>> -> memref<1x128xi32, #tpu.memory_space<vmem>>
    %dma_start3A_29 = tpu.memref_squeeze %dma_start3A_28 : memref<1x128xi32, #tpu.memory_space<vmem>> -> memref<128xi32, #tpu.memory_space<vmem>>
    %dma_start3A_30 = arith.constant 0 : i32
    %dma_start3A_31 = tpu.memref_slice %arg2[%dma_start3A_30] : memref<34078720xf32, #tpu.memory_space<hbm>> -> memref<34078720xf32, #tpu.memory_space<hbm>>
    tpu.enqueue_indirect_dma source(%dma_start3A_31 : memref<34078720xf32, #tpu.memory_space<hbm>>) target(%dma_start3A_26 : memref<128xf32, #tpu.memory_space<vmem>>) offsets(%dma_start3A_29 : memref<128xi32, #tpu.memory_space<vmem>>) semaphore(%arg7 : memref<!tpu.dma_semaphore, #tpu.memory_space<semaphore_mem>>)
    %dma_start3A_32 = arith.constant 3 : i32
    %dma_start3A_33 = arith.constant 3 : i32
    %dma_start3A_34 = arith.constant 0 : i32
    %dma_start3A_35 = tpu.memref_slice %arg6[%dma_start3A_33, %dma_start3A_34] : memref<40x128xf32, #tpu.memory_space<vmem>> -> memref<1x128xf32, #tpu.memory_space<vmem>>
    %dma_start3A_36 = tpu.memref_squeeze %dma_start3A_35 : memref<1x128xf32, #tpu.memory_space<vmem>> -> memref<128xf32, #tpu.memory_space<vmem>>
    %dma_start3A_37 = arith.constant 0 : i32
    %dma_start3A_38 = tpu.memref_slice %arg5[%dma_start3A_32, %dma_start3A_37] : memref<40x128xi32, #tpu.memory_space<vmem>> -> memref<1x128xi32, #tpu.memory_space<vmem>>
    %dma_start3A_39 = tpu.memref_squeeze %dma_start3A_38 : memref<1x128xi32, #tpu.memory_space<vmem>> -> memref<128xi32, #tpu.memory_space<vmem>>
    %dma_start3A_40 = arith.constant 0 : i32
    %dma_start3A_41 = tpu.memref_slice %arg2[%dma_start3A_40] : memref<34078720xf32, #tpu.memory_space<hbm>> -> memref<34078720xf32, #tpu.memory_space<hbm>>
    tpu.enqueue_indirect_dma source(%dma_start3A_41 : memref<34078720xf32, #tpu.memory_space<hbm>>) target(%dma_start3A_36 : memref<128xf32, #tpu.memory_space<vmem>>) offsets(%dma_start3A_39 : memref<128xi32, #tpu.memory_space<vmem>>) semaphore(%arg7 : memref<!tpu.dma_semaphore, #tpu.memory_space<semaphore_mem>>)
    %dma_start3A_42 = arith.constant 4 : i32
    %dma_start3A_43 = arith.constant 4 : i32
    %dma_start3A_44 = arith.constant 0 : i32
    %dma_start3A_45 = tpu.memref_slice %arg6[%dma_start3A_43, %dma_start3A_44] : memref<40x128xf32, #tpu.memory_space<vmem>> -> memref<1x128xf32, #tpu.memory_space<vmem>>
    %dma_start3A_46 = tpu.memref_squeeze %dma_start3A_45 : memref<1x128xf32, #tpu.memory_space<vmem>> -> memref<128xf32, #tpu.memory_space<vmem>>
    %dma_start3A_47 = arith.constant 0 : i32
    %dma_start3A_48 = tpu.memref_slice %arg5[%dma_start3A_42, %dma_start3A_47] : memref<40x128xi32, #tpu.memory_space<vmem>> -> memref<1x128xi32, #tpu.memory_space<vmem>>
    %dma_start3A_49 = tpu.memref_squeeze %dma_start3A_48 : memref<1x128xi32, #tpu.memory_space<vmem>> -> memref<128xi32, #tpu.memory_space<vmem>>
    %dma_start3A_50 = arith.constant 0 : i32
    %dma_start3A_51 = tpu.memref_slice %arg2[%dma_start3A_50] : memref<34078720xf32, #tpu.memory_space<hbm>> -> memref<34078720xf32, #tpu.memory_space<hbm>>
    tpu.enqueue_indirect_dma source(%dma_start3A_51 : memref<34078720xf32, #tpu.memory_space<hbm>>) target(%dma_start3A_46 : memref<128xf32, #tpu.memory_space<vmem>>) offsets(%dma_start3A_49 : memref<128xi32, #tpu.memory_space<vmem>>) semaphore(%arg7 : memref<!tpu.dma_semaphore, #tpu.memory_space<semaphore_mem>>)
    %dma_start3A_52 = arith.constant 5 : i32
    %dma_start3A_53 = arith.constant 5 : i32
    %dma_start3A_54 = arith.constant 0 : i32
    %dma_start3A_55 = tpu.memref_slice %arg6[%dma_start3A_53, %dma_start3A_54] : memref<40x128xf32, #tpu.memory_space<vmem>> -> memref<1x128xf32, #tpu.memory_space<vmem>>
    %dma_start3A_56 = tpu.memref_squeeze %dma_start3A_55 : memref<1x128xf32, #tpu.memory_space<vmem>> -> memref<128xf32, #tpu.memory_space<vmem>>
    %dma_start3A_57 = arith.constant 0 : i32
    %dma_start3A_58 = tpu.memref_slice %arg5[%dma_start3A_52, %dma_start3A_57] : memref<40x128xi32, #tpu.memory_space<vmem>> -> memref<1x128xi32, #tpu.memory_space<vmem>>
    %dma_start3A_59 = tpu.memref_squeeze %dma_start3A_58 : memref<1x128xi32, #tpu.memory_space<vmem>> -> memref<128xi32, #tpu.memory_space<vmem>>
    %dma_start3A_60 = arith.constant 0 : i32
    %dma_start3A_61 = tpu.memref_slice %arg2[%dma_start3A_60] : memref<34078720xf32, #tpu.memory_space<hbm>> -> memref<34078720xf32, #tpu.memory_space<hbm>>
    tpu.enqueue_indirect_dma source(%dma_start3A_61 : memref<34078720xf32, #tpu.memory_space<hbm>>) target(%dma_start3A_56 : memref<128xf32, #tpu.memory_space<vmem>>) offsets(%dma_start3A_59 : memref<128xi32, #tpu.memory_space<vmem>>) semaphore(%arg7 : memref<!tpu.dma_semaphore, #tpu.memory_space<semaphore_mem>>)
    %dma_start3A_62 = arith.constant 6 : i32
    %dma_start3A_63 = arith.constant 6 : i32
    %dma_start3A_64 = arith.constant 0 : i32
    %dma_start3A_65 = tpu.memref_slice %arg6[%dma_start3A_63, %dma_start3A_64] : memref<40x128xf32, #tpu.memory_space<vmem>> -> memref<1x128xf32, #tpu.memory_space<vmem>>
    %dma_start3A_66 = tpu.memref_squeeze %dma_start3A_65 : memref<1x128xf32, #tpu.memory_space<vmem>> -> memref<128xf32, #tpu.memory_space<vmem>>
    %dma_start3A_67 = arith.constant 0 : i32
    %dma_start3A_68 = tpu.memref_slice %arg5[%dma_start3A_62, %dma_start3A_67] : memref<40x128xi32, #tpu.memory_space<vmem>> -> memref<1x128xi32, #tpu.memory_space<vmem>>
    %dma_start3A_69 = tpu.memref_squeeze %dma_start3A_68 : memref<1x128xi32, #tpu.memory_space<vmem>> -> memref<128xi32, #tpu.memory_space<vmem>>
    %dma_start3A_70 = arith.constant 0 : i32
    %dma_start3A_71 = tpu.memref_slice %arg2[%dma_start3A_70] : memref<34078720xf32, #tpu.memory_space<hbm>> -> memref<34078720xf32, #tpu.memory_space<hbm>>
    tpu.enqueue_indirect_dma source(%dma_start3A_71 : memref<34078720xf32, #tpu.memory_space<hbm>>) target(%dma_start3A_66 : memref<128xf32, #tpu.memory_space<vmem>>) offsets(%dma_start3A_69 : memref<128xi32, #tpu.memory_space<vmem>>) semaphore(%arg7 : memref<!tpu.dma_semaphore, #tpu.memory_space<semaphore_mem>>)
    %dma_start3A_72 = arith.constant 7 : i32
    %dma_start3A_73 = arith.constant 7 : i32
    %dma_start3A_74 = arith.constant 0 : i32
    %dma_start3A_75 = tpu.memref_slice %arg6[%dma_start3A_73, %dma_start3A_74] : memref<40x128xf32, #tpu.memory_space<vmem>> -> memref<1x128xf32, #tpu.memory_space<vmem>>
    %dma_start3A_76 = tpu.memref_squeeze %dma_start3A_75 : memref<1x128xf32, #tpu.memory_space<vmem>> -> memref<128xf32, #tpu.memory_space<vmem>>
    %dma_start3A_77 = arith.constant 0 : i32
    %dma_start3A_78 = tpu.memref_slice %arg5[%dma_start3A_72, %dma_start3A_77] : memref<40x128xi32, #tpu.memory_space<vmem>> -> memref<1x128xi32, #tpu.memory_space<vmem>>
    %dma_start3A_79 = tpu.memref_squeeze %dma_start3A_78 : memref<1x128xi32, #tpu.memory_space<vmem>> -> memref<128xi32, #tpu.memory_space<vmem>>
    %dma_start3A_80 = arith.constant 0 : i32
    %dma_start3A_81 = tpu.memref_slice %arg2[%dma_start3A_80] : memref<34078720xf32, #tpu.memory_space<hbm>> -> memref<34078720xf32, #tpu.memory_space<hbm>>
    tpu.enqueue_indirect_dma source(%dma_start3A_81 : memref<34078720xf32, #tpu.memory_space<hbm>>) target(%dma_start3A_76 : memref<128xf32, #tpu.memory_space<vmem>>) offsets(%dma_start3A_79 : memref<128xi32, #tpu.memory_space<vmem>>) semaphore(%arg7 : memref<!tpu.dma_semaphore, #tpu.memory_space<semaphore_mem>>)
    %dma_start3A_82 = arith.constant 8 : i32
    %dma_start3A_83 = arith.constant 8 : i32
    %dma_start3A_84 = arith.constant 0 : i32
    %dma_start3A_85 = tpu.memref_slice %arg6[%dma_start3A_83, %dma_start3A_84] : memref<40x128xf32, #tpu.memory_space<vmem>> -> memref<1x128xf32, #tpu.memory_space<vmem>>
    %dma_start3A_86 = tpu.memref_squeeze %dma_start3A_85 : memref<1x128xf32, #tpu.memory_space<vmem>> -> memref<128xf32, #tpu.memory_space<vmem>>
    %dma_start3A_87 = arith.constant 0 : i32
    %dma_start3A_88 = tpu.memref_slice %arg5[%dma_start3A_82, %dma_start3A_87] : memref<40x128xi32, #tpu.memory_space<vmem>> -> memref<1x128xi32, #tpu.memory_space<vmem>>
    %dma_start3A_89 = tpu.memref_squeeze %dma_start3A_88 : memref<1x128xi32, #tpu.memory_space<vmem>> -> memref<128xi32, #tpu.memory_space<vmem>>
    %dma_start3A_90 = arith.constant 0 : i32
    %dma_start3A_91 = tpu.memref_slice %arg2[%dma_start3A_90] : memref<34078720xf32, #tpu.memory_space<hbm>> -> memref<34078720xf32, #tpu.memory_space<hbm>>
    tpu.enqueue_indirect_dma source(%dma_start3A_91 : memref<34078720xf32, #tpu.memory_space<hbm>>) target(%dma_start3A_86 : memref<128xf32, #tpu.memory_space<vmem>>) offsets(%dma_start3A_89 : memref<128xi32, #tpu.memory_space<vmem>>) semaphore(%arg7 : memref<!tpu.dma_semaphore, #tpu.memory_space<semaphore_mem>>)
    %dma_start3A_92 = arith.constant 9 : i32
    %dma_start3A_93 = arith.constant 9 : i32
    %dma_start3A_94 = arith.constant 0 : i32
    %dma_start3A_95 = tpu.memref_slice %arg6[%dma_start3A_93, %dma_start3A_94] : memref<40x128xf32, #tpu.memory_space<vmem>> -> memref<1x128xf32, #tpu.memory_space<vmem>>
    %dma_start3A_96 = tpu.memref_squeeze %dma_start3A_95 : memref<1x128xf32, #tpu.memory_space<vmem>> -> memref<128xf32, #tpu.memory_space<vmem>>
    %dma_start3A_97 = arith.constant 0 : i32
    %dma_start3A_98 = tpu.memref_slice %arg5[%dma_start3A_92, %dma_start3A_97] : memref<40x128xi32, #tpu.memory_space<vmem>> -> memref<1x128xi32, #tpu.memory_space<vmem>>
    %dma_start3A_99 = tpu.memref_squeeze %dma_start3A_98 : memref<1x128xi32, #tpu.memory_space<vmem>> -> memref<128xi32, #tpu.memory_space<vmem>>
    %dma_start3A_100 = arith.constant 0 : i32
    %dma_start3A_101 = tpu.memref_slice %arg2[%dma_start3A_100] : memref<34078720xf32, #tpu.memory_space<hbm>> -> memref<34078720xf32, #tpu.memory_space<hbm>>
    tpu.enqueue_indirect_dma source(%dma_start3A_101 : memref<34078720xf32, #tpu.memory_space<hbm>>) target(%dma_start3A_96 : memref<128xf32, #tpu.memory_space<vmem>>) offsets(%dma_start3A_99 : memref<128xi32, #tpu.memory_space<vmem>>) semaphore(%arg7 : memref<!tpu.dma_semaphore, #tpu.memory_space<semaphore_mem>>)
    %dma_start3A_102 = arith.constant 10 : i32
    %dma_start3A_103 = arith.constant 10 : i32
    %dma_start3A_104 = arith.constant 0 : i32
    %dma_start3A_105 = tpu.memref_slice %arg6[%dma_start3A_103, %dma_start3A_104] : memref<40x128xf32, #tpu.memory_space<vmem>> -> memref<1x128xf32, #tpu.memory_space<vmem>>
    %dma_start3A_106 = tpu.memref_squeeze %dma_start3A_105 : memref<1x128xf32, #tpu.memory_space<vmem>> -> memref<128xf32, #tpu.memory_space<vmem>>
    %dma_start3A_107 = arith.constant 0 : i32
    %dma_start3A_108 = tpu.memref_slice %arg5[%dma_start3A_102, %dma_start3A_107] : memref<40x128xi32, #tpu.memory_space<vmem>> -> memref<1x128xi32, #tpu.memory_space<vmem>>
    %dma_start3A_109 = tpu.memref_squeeze %dma_start3A_108 : memref<1x128xi32, #tpu.memory_space<vmem>> -> memref<128xi32, #tpu.memory_space<vmem>>
    %dma_start3A_110 = arith.constant 0 : i32
    %dma_start3A_111 = tpu.memref_slice %arg2[%dma_start3A_110] : memref<34078720xf32, #tpu.memory_space<hbm>> -> memref<34078720xf32, #tpu.memory_space<hbm>>
    tpu.enqueue_indirect_dma source(%dma_start3A_111 : memref<34078720xf32, #tpu.memory_space<hbm>>) target(%dma_start3A_106 : memref<128xf32, #tpu.memory_space<vmem>>) offsets(%dma_start3A_109 : memref<128xi32, #tpu.memory_space<vmem>>) semaphore(%arg7 : memref<!tpu.dma_semaphore, #tpu.memory_space<semaphore_mem>>)
    %dma_start3A_112 = arith.constant 11 : i32
    %dma_start3A_113 = arith.constant 11 : i32
    %dma_start3A_114 = arith.constant 0 : i32
    %dma_start3A_115 = tpu.memref_slice %arg6[%dma_start3A_113, %dma_start3A_114] : memref<40x128xf32, #tpu.memory_space<vmem>> -> memref<1x128xf32, #tpu.memory_space<vmem>>
    %dma_start3A_116 = tpu.memref_squeeze %dma_start3A_115 : memref<1x128xf32, #tpu.memory_space<vmem>> -> memref<128xf32, #tpu.memory_space<vmem>>
    %dma_start3A_117 = arith.constant 0 : i32
    %dma_start3A_118 = tpu.memref_slice %arg5[%dma_start3A_112, %dma_start3A_117] : memref<40x128xi32, #tpu.memory_space<vmem>> -> memref<1x128xi32, #tpu.memory_space<vmem>>
    %dma_start3A_119 = tpu.memref_squeeze %dma_start3A_118 : memref<1x128xi32, #tpu.memory_space<vmem>> -> memref<128xi32, #tpu.memory_space<vmem>>
    %dma_start3A_120 = arith.constant 0 : i32
    %dma_start3A_121 = tpu.memref_slice %arg2[%dma_start3A_120] : memref<34078720xf32, #tpu.memory_space<hbm>> -> memref<34078720xf32, #tpu.memory_space<hbm>>
    tpu.enqueue_indirect_dma source(%dma_start3A_121 : memref<34078720xf32, #tpu.memory_space<hbm>>) target(%dma_start3A_116 : memref<128xf32, #tpu.memory_space<vmem>>) offsets(%dma_start3A_119 : memref<128xi32, #tpu.memory_space<vmem>>) semaphore(%arg7 : memref<!tpu.dma_semaphore, #tpu.memory_space<semaphore_mem>>)
    %dma_start3A_122 = arith.constant 12 : i32
    %dma_start3A_123 = arith.constant 12 : i32
    %dma_start3A_124 = arith.constant 0 : i32
    %dma_start3A_125 = tpu.memref_slice %arg6[%dma_start3A_123, %dma_start3A_124] : memref<40x128xf32, #tpu.memory_space<vmem>> -> memref<1x128xf32, #tpu.memory_space<vmem>>
    %dma_start3A_126 = tpu.memref_squeeze %dma_start3A_125 : memref<1x128xf32, #tpu.memory_space<vmem>> -> memref<128xf32, #tpu.memory_space<vmem>>
    %dma_start3A_127 = arith.constant 0 : i32
    %dma_start3A_128 = tpu.memref_slice %arg5[%dma_start3A_122, %dma_start3A_127] : memref<40x128xi32, #tpu.memory_space<vmem>> -> memref<1x128xi32, #tpu.memory_space<vmem>>
    %dma_start3A_129 = tpu.memref_squeeze %dma_start3A_128 : memref<1x128xi32, #tpu.memory_space<vmem>> -> memref<128xi32, #tpu.memory_space<vmem>>
    %dma_start3A_130 = arith.constant 0 : i32
    %dma_start3A_131 = tpu.memref_slice %arg2[%dma_start3A_130] : memref<34078720xf32, #tpu.memory_space<hbm>> -> memref<34078720xf32, #tpu.memory_space<hbm>>
    tpu.enqueue_indirect_dma source(%dma_start3A_131 : memref<34078720xf32, #tpu.memory_space<hbm>>) target(%dma_start3A_126 : memref<128xf32, #tpu.memory_space<vmem>>) offsets(%dma_start3A_129 : memref<128xi32, #tpu.memory_space<vmem>>) semaphore(%arg7 : memref<!tpu.dma_semaphore, #tpu.memory_space<semaphore_mem>>)
    %dma_start3A_132 = arith.constant 13 : i32
    %dma_start3A_133 = arith.constant 13 : i32
    %dma_start3A_134 = arith.constant 0 : i32
    %dma_start3A_135 = tpu.memref_slice %arg6[%dma_start3A_133, %dma_start3A_134] : memref<40x128xf32, #tpu.memory_space<vmem>> -> memref<1x128xf32, #tpu.memory_space<vmem>>
    %dma_start3A_136 = tpu.memref_squeeze %dma_start3A_135 : memref<1x128xf32, #tpu.memory_space<vmem>> -> memref<128xf32, #tpu.memory_space<vmem>>
    %dma_start3A_137 = arith.constant 0 : i32
    %dma_start3A_138 = tpu.memref_slice %arg5[%dma_start3A_132, %dma_start3A_137] : memref<40x128xi32, #tpu.memory_space<vmem>> -> memref<1x128xi32, #tpu.memory_space<vmem>>
    %dma_start3A_139 = tpu.memref_squeeze %dma_start3A_138 : memref<1x128xi32, #tpu.memory_space<vmem>> -> memref<128xi32, #tpu.memory_space<vmem>>
    %dma_start3A_140 = arith.constant 0 : i32
    %dma_start3A_141 = tpu.memref_slice %arg2[%dma_start3A_140] : memref<34078720xf32, #tpu.memory_space<hbm>> -> memref<34078720xf32, #tpu.memory_space<hbm>>
    tpu.enqueue_indirect_dma source(%dma_start3A_141 : memref<34078720xf32, #tpu.memory_space<hbm>>) target(%dma_start3A_136 : memref<128xf32, #tpu.memory_space<vmem>>) offsets(%dma_start3A_139 : memref<128xi32, #tpu.memory_space<vmem>>) semaphore(%arg7 : memref<!tpu.dma_semaphore, #tpu.memory_space<semaphore_mem>>)
    %dma_start3A_142 = arith.constant 14 : i32
    %dma_start3A_143 = arith.constant 14 : i32
    %dma_start3A_144 = arith.constant 0 : i32
    %dma_start3A_145 = tpu.memref_slice %arg6[%dma_start3A_143, %dma_start3A_144] : memref<40x128xf32, #tpu.memory_space<vmem>> -> memref<1x128xf32, #tpu.memory_space<vmem>>
    %dma_start3A_146 = tpu.memref_squeeze %dma_start3A_145 : memref<1x128xf32, #tpu.memory_space<vmem>> -> memref<128xf32, #tpu.memory_space<vmem>>
    %dma_start3A_147 = arith.constant 0 : i32
    %dma_start3A_148 = tpu.memref_slice %arg5[%dma_start3A_142, %dma_start3A_147] : memref<40x128xi32, #tpu.memory_space<vmem>> -> memref<1x128xi32, #tpu.memory_space<vmem>>
    %dma_start3A_149 = tpu.memref_squeeze %dma_start3A_148 : memref<1x128xi32, #tpu.memory_space<vmem>> -> memref<128xi32, #tpu.memory_space<vmem>>
    %dma_start3A_150 = arith.constant 0 : i32
    %dma_start3A_151 = tpu.memref_slice %arg2[%dma_start3A_150] : memref<34078720xf32, #tpu.memory_space<hbm>> -> memref<34078720xf32, #tpu.memory_space<hbm>>
    tpu.enqueue_indirect_dma source(%dma_start3A_151 : memref<34078720xf32, #tpu.memory_space<hbm>>) target(%dma_start3A_146 : memref<128xf32, #tpu.memory_space<vmem>>) offsets(%dma_start3A_149 : memref<128xi32, #tpu.memory_space<vmem>>) semaphore(%arg7 : memref<!tpu.dma_semaphore, #tpu.memory_space<semaphore_mem>>)
    %dma_start3A_152 = arith.constant 15 : i32
    %dma_start3A_153 = arith.constant 15 : i32
    %dma_start3A_154 = arith.constant 0 : i32
    %dma_start3A_155 = tpu.memref_slice %arg6[%dma_start3A_153, %dma_start3A_154] : memref<40x128xf32, #tpu.memory_space<vmem>> -> memref<1x128xf32, #tpu.memory_space<vmem>>
    %dma_start3A_156 = tpu.memref_squeeze %dma_start3A_155 : memref<1x128xf32, #tpu.memory_space<vmem>> -> memref<128xf32, #tpu.memory_space<vmem>>
    %dma_start3A_157 = arith.constant 0 : i32
    %dma_start3A_158 = tpu.memref_slice %arg5[%dma_start3A_152, %dma_start3A_157] : memref<40x128xi32, #tpu.memory_space<vmem>> -> memref<1x128xi32, #tpu.memory_space<vmem>>
    %dma_start3A_159 = tpu.memref_squeeze %dma_start3A_158 : memref<1x128xi32, #tpu.memory_space<vmem>> -> memref<128xi32, #tpu.memory_space<vmem>>
    %dma_start3A_160 = arith.constant 0 : i32
    %dma_start3A_161 = tpu.memref_slice %arg2[%dma_start3A_160] : memref<34078720xf32, #tpu.memory_space<hbm>> -> memref<34078720xf32, #tpu.memory_space<hbm>>
    tpu.enqueue_indirect_dma source(%dma_start3A_161 : memref<34078720xf32, #tpu.memory_space<hbm>>) target(%dma_start3A_156 : memref<128xf32, #tpu.memory_space<vmem>>) offsets(%dma_start3A_159 : memref<128xi32, #tpu.memory_space<vmem>>) semaphore(%arg7 : memref<!tpu.dma_semaphore, #tpu.memory_space<semaphore_mem>>)
    %dma_start3A_162 = arith.constant 16 : i32
    %dma_start3A_163 = arith.constant 16 : i32
    %dma_start3A_164 = arith.constant 0 : i32
    %dma_start3A_165 = tpu.memref_slice %arg6[%dma_start3A_163, %dma_start3A_164] : memref<40x128xf32, #tpu.memory_space<vmem>> -> memref<1x128xf32, #tpu.memory_space<vmem>>
    %dma_start3A_166 = tpu.memref_squeeze %dma_start3A_165 : memref<1x128xf32, #tpu.memory_space<vmem>> -> memref<128xf32, #tpu.memory_space<vmem>>
    %dma_start3A_167 = arith.constant 0 : i32
    %dma_start3A_168 = tpu.memref_slice %arg5[%dma_start3A_162, %dma_start3A_167] : memref<40x128xi32, #tpu.memory_space<vmem>> -> memref<1x128xi32, #tpu.memory_space<vmem>>
    %dma_start3A_169 = tpu.memref_squeeze %dma_start3A_168 : memref<1x128xi32, #tpu.memory_space<vmem>> -> memref<128xi32, #tpu.memory_space<vmem>>
    %dma_start3A_170 = arith.constant 0 : i32
    %dma_start3A_171 = tpu.memref_slice %arg2[%dma_start3A_170] : memref<34078720xf32, #tpu.memory_space<hbm>> -> memref<34078720xf32, #tpu.memory_space<hbm>>
    tpu.enqueue_indirect_dma source(%dma_start3A_171 : memref<34078720xf32, #tpu.memory_space<hbm>>) target(%dma_start3A_166 : memref<128xf32, #tpu.memory_space<vmem>>) offsets(%dma_start3A_169 : memref<128xi32, #tpu.memory_space<vmem>>) semaphore(%arg7 : memref<!tpu.dma_semaphore, #tpu.memory_space<semaphore_mem>>)
    %dma_start3A_172 = arith.constant 17 : i32
    %dma_start3A_173 = arith.constant 17 : i32
    %dma_start3A_174 = arith.constant 0 : i32
    %dma_start3A_175 = tpu.memref_slice %arg6[%dma_start3A_173, %dma_start3A_174] : memref<40x128xf32, #tpu.memory_space<vmem>> -> memref<1x128xf32, #tpu.memory_space<vmem>>
    %dma_start3A_176 = tpu.memref_squeeze %dma_start3A_175 : memref<1x128xf32, #tpu.memory_space<vmem>> -> memref<128xf32, #tpu.memory_space<vmem>>
    %dma_start3A_177 = arith.constant 0 : i32
    %dma_start3A_178 = tpu.memref_slice %arg5[%dma_start3A_172, %dma_start3A_177] : memref<40x128xi32, #tpu.memory_space<vmem>> -> memref<1x128xi32, #tpu.memory_space<vmem>>
    %dma_start3A_179 = tpu.memref_squeeze %dma_start3A_178 : memref<1x128xi32, #tpu.memory_space<vmem>> -> memref<128xi32, #tpu.memory_space<vmem>>
    %dma_start3A_180 = arith.constant 0 : i32
    %dma_start3A_181 = tpu.memref_slice %arg2[%dma_start3A_180] : memref<34078720xf32, #tpu.memory_space<hbm>> -> memref<34078720xf32, #tpu.memory_space<hbm>>
    tpu.enqueue_indirect_dma source(%dma_start3A_181 : memref<34078720xf32, #tpu.memory_space<hbm>>) target(%dma_start3A_176 : memref<128xf32, #tpu.memory_space<vmem>>) offsets(%dma_start3A_179 : memref<128xi32, #tpu.memory_space<vmem>>) semaphore(%arg7 : memref<!tpu.dma_semaphore, #tpu.memory_space<semaphore_mem>>)
    %dma_start3A_182 = arith.constant 18 : i32
    %dma_start3A_183 = arith.constant 18 : i32
    %dma_start3A_184 = arith.constant 0 : i32
    %dma_start3A_185 = tpu.memref_slice %arg6[%dma_start3A_183, %dma_start3A_184] : memref<40x128xf32, #tpu.memory_space<vmem>> -> memref<1x128xf32, #tpu.memory_space<vmem>>
    %dma_start3A_186 = tpu.memref_squeeze %dma_start3A_185 : memref<1x128xf32, #tpu.memory_space<vmem>> -> memref<128xf32, #tpu.memory_space<vmem>>
    %dma_start3A_187 = arith.constant 0 : i32
    %dma_start3A_188 = tpu.memref_slice %arg5[%dma_start3A_182, %dma_start3A_187] : memref<40x128xi32, #tpu.memory_space<vmem>> -> memref<1x128xi32, #tpu.memory_space<vmem>>
    %dma_start3A_189 = tpu.memref_squeeze %dma_start3A_188 : memref<1x128xi32, #tpu.memory_space<vmem>> -> memref<128xi32, #tpu.memory_space<vmem>>
    %dma_start3A_190 = arith.constant 0 : i32
    %dma_start3A_191 = tpu.memref_slice %arg2[%dma_start3A_190] : memref<34078720xf32, #tpu.memory_space<hbm>> -> memref<34078720xf32, #tpu.memory_space<hbm>>
    tpu.enqueue_indirect_dma source(%dma_start3A_191 : memref<34078720xf32, #tpu.memory_space<hbm>>) target(%dma_start3A_186 : memref<128xf32, #tpu.memory_space<vmem>>) offsets(%dma_start3A_189 : memref<128xi32, #tpu.memory_space<vmem>>) semaphore(%arg7 : memref<!tpu.dma_semaphore, #tpu.memory_space<semaphore_mem>>)
    %dma_start3A_192 = arith.constant 19 : i32
    %dma_start3A_193 = arith.constant 19 : i32
    %dma_start3A_194 = arith.constant 0 : i32
    %dma_start3A_195 = tpu.memref_slice %arg6[%dma_start3A_193, %dma_start3A_194] : memref<40x128xf32, #tpu.memory_space<vmem>> -> memref<1x128xf32, #tpu.memory_space<vmem>>
    %dma_start3A_196 = tpu.memref_squeeze %dma_start3A_195 : memref<1x128xf32, #tpu.memory_space<vmem>> -> memref<128xf32, #tpu.memory_space<vmem>>
    %dma_start3A_197 = arith.constant 0 : i32
    %dma_start3A_198 = tpu.memref_slice %arg5[%dma_start3A_192, %dma_start3A_197] : memref<40x128xi32, #tpu.memory_space<vmem>> -> memref<1x128xi32, #tpu.memory_space<vmem>>
    %dma_start3A_199 = tpu.memref_squeeze %dma_start3A_198 : memref<1x128xi32, #tpu.memory_space<vmem>> -> memref<128xi32, #tpu.memory_space<vmem>>
    %dma_start3A_200 = arith.constant 0 : i32
    %dma_start3A_201 = tpu.memref_slice %arg2[%dma_start3A_200] : memref<34078720xf32, #tpu.memory_space<hbm>> -> memref<34078720xf32, #tpu.memory_space<hbm>>
    tpu.enqueue_indirect_dma source(%dma_start3A_201 : memref<34078720xf32, #tpu.memory_space<hbm>>) target(%dma_start3A_196 : memref<128xf32, #tpu.memory_space<vmem>>) offsets(%dma_start3A_199 : memref<128xi32, #tpu.memory_space<vmem>>) semaphore(%arg7 : memref<!tpu.dma_semaphore, #tpu.memory_space<semaphore_mem>>)
    %dma_wait3A = arith.constant 0 : i32
    %dma_wait3A_202 = arith.constant 0 : i32
    %dma_wait3A_203 = arith.constant 0 : i32
    %dma_wait3A_204 = tpu.memref_slice %arg6[%dma_wait3A_202, %dma_wait3A_203] : memref<40x128xf32, #tpu.memory_space<vmem>> -> memref<1x128xf32, #tpu.memory_space<vmem>>
    %dma_wait3A_205 = tpu.memref_squeeze %dma_wait3A_204 : memref<1x128xf32, #tpu.memory_space<vmem>> -> memref<128xf32, #tpu.memory_space<vmem>>
    %dma_wait3A_206 = arith.constant 0 : i32
    %dma_wait3A_207 = tpu.memref_slice %arg5[%dma_wait3A, %dma_wait3A_206] : memref<40x128xi32, #tpu.memory_space<vmem>> -> memref<1x128xi32, #tpu.memory_space<vmem>>
    %dma_wait3A_208 = tpu.memref_squeeze %dma_wait3A_207 : memref<1x128xi32, #tpu.memory_space<vmem>> -> memref<128xi32, #tpu.memory_space<vmem>>
    %dma_wait3A_209 = arith.constant 0 : i32
    %dma_wait3A_210 = tpu.memref_slice %arg2[%dma_wait3A_209] : memref<34078720xf32, #tpu.memory_space<hbm>> -> memref<34078720xf32, #tpu.memory_space<hbm>>
    tpu.wait_indirect_dma semaphore(%arg7 : memref<!tpu.dma_semaphore, #tpu.memory_space<semaphore_mem>>) src(%dma_wait3A_210 : memref<34078720xf32, #tpu.memory_space<hbm>>) dst(%dma_wait3A_205 : memref<128xf32, #tpu.memory_space<vmem>>)
    %dma_wait3A_211 = arith.constant 1 : i32
    %dma_wait3A_212 = arith.constant 1 : i32
    %dma_wait3A_213 = arith.constant 0 : i32
    %dma_wait3A_214 = tpu.memref_slice %arg6[%dma_wait3A_212, %dma_wait3A_213] : memref<40x128xf32, #tpu.memory_space<vmem>> -> memref<1x128xf32, #tpu.memory_space<vmem>>
    %dma_wait3A_215 = tpu.memref_squeeze %dma_wait3A_214 : memref<1x128xf32, #tpu.memory_space<vmem>> -> memref<128xf32, #tpu.memory_space<vmem>>
    %dma_wait3A_216 = arith.constant 0 : i32
    %dma_wait3A_217 = tpu.memref_slice %arg5[%dma_wait3A_211, %dma_wait3A_216] : memref<40x128xi32, #tpu.memory_space<vmem>> -> memref<1x128xi32, #tpu.memory_space<vmem>>
    %dma_wait3A_218 = tpu.memref_squeeze %dma_wait3A_217 : memref<1x128xi32, #tpu.memory_space<vmem>> -> memref<128xi32, #tpu.memory_space<vmem>>
    %dma_wait3A_219 = arith.constant 0 : i32
    %dma_wait3A_220 = tpu.memref_slice %arg2[%dma_wait3A_219] : memref<34078720xf32, #tpu.memory_space<hbm>> -> memref<34078720xf32, #tpu.memory_space<hbm>>
    tpu.wait_indirect_dma semaphore(%arg7 : memref<!tpu.dma_semaphore, #tpu.memory_space<semaphore_mem>>) src(%dma_wait3A_220 : memref<34078720xf32, #tpu.memory_space<hbm>>) dst(%dma_wait3A_215 : memref<128xf32, #tpu.memory_space<vmem>>)
    %dma_wait3A_221 = arith.constant 2 : i32
    %dma_wait3A_222 = arith.constant 2 : i32
    %dma_wait3A_223 = arith.constant 0 : i32
    %dma_wait3A_224 = tpu.memref_slice %arg6[%dma_wait3A_222, %dma_wait3A_223] : memref<40x128xf32, #tpu.memory_space<vmem>> -> memref<1x128xf32, #tpu.memory_space<vmem>>
    %dma_wait3A_225 = tpu.memref_squeeze %dma_wait3A_224 : memref<1x128xf32, #tpu.memory_space<vmem>> -> memref<128xf32, #tpu.memory_space<vmem>>
    %dma_wait3A_226 = arith.constant 0 : i32
    %dma_wait3A_227 = tpu.memref_slice %arg5[%dma_wait3A_221, %dma_wait3A_226] : memref<40x128xi32, #tpu.memory_space<vmem>> -> memref<1x128xi32, #tpu.memory_space<vmem>>
    %dma_wait3A_228 = tpu.memref_squeeze %dma_wait3A_227 : memref<1x128xi32, #tpu.memory_space<vmem>> -> memref<128xi32, #tpu.memory_space<vmem>>
    %dma_wait3A_229 = arith.constant 0 : i32
    %dma_wait3A_230 = tpu.memref_slice %arg2[%dma_wait3A_229] : memref<34078720xf32, #tpu.memory_space<hbm>> -> memref<34078720xf32, #tpu.memory_space<hbm>>
    tpu.wait_indirect_dma semaphore(%arg7 : memref<!tpu.dma_semaphore, #tpu.memory_space<semaphore_mem>>) src(%dma_wait3A_230 : memref<34078720xf32, #tpu.memory_space<hbm>>) dst(%dma_wait3A_225 : memref<128xf32, #tpu.memory_space<vmem>>)
    %dma_wait3A_231 = arith.constant 3 : i32
    %dma_wait3A_232 = arith.constant 3 : i32
    %dma_wait3A_233 = arith.constant 0 : i32
    %dma_wait3A_234 = tpu.memref_slice %arg6[%dma_wait3A_232, %dma_wait3A_233] : memref<40x128xf32, #tpu.memory_space<vmem>> -> memref<1x128xf32, #tpu.memory_space<vmem>>
    %dma_wait3A_235 = tpu.memref_squeeze %dma_wait3A_234 : memref<1x128xf32, #tpu.memory_space<vmem>> -> memref<128xf32, #tpu.memory_space<vmem>>
    %dma_wait3A_236 = arith.constant 0 : i32
    %dma_wait3A_237 = tpu.memref_slice %arg5[%dma_wait3A_231, %dma_wait3A_236] : memref<40x128xi32, #tpu.memory_space<vmem>> -> memref<1x128xi32, #tpu.memory_space<vmem>>
    %dma_wait3A_238 = tpu.memref_squeeze %dma_wait3A_237 : memref<1x128xi32, #tpu.memory_space<vmem>> -> memref<128xi32, #tpu.memory_space<vmem>>
    %dma_wait3A_239 = arith.constant 0 : i32
    %dma_wait3A_240 = tpu.memref_slice %arg2[%dma_wait3A_239] : memref<34078720xf32, #tpu.memory_space<hbm>> -> memref<34078720xf32, #tpu.memory_space<hbm>>
    tpu.wait_indirect_dma semaphore(%arg7 : memref<!tpu.dma_semaphore, #tpu.memory_space<semaphore_mem>>) src(%dma_wait3A_240 : memref<34078720xf32, #tpu.memory_space<hbm>>) dst(%dma_wait3A_235 : memref<128xf32, #tpu.memory_space<vmem>>)
    %dma_wait3A_241 = arith.constant 4 : i32
    %dma_wait3A_242 = arith.constant 4 : i32
    %dma_wait3A_243 = arith.constant 0 : i32
    %dma_wait3A_244 = tpu.memref_slice %arg6[%dma_wait3A_242, %dma_wait3A_243] : memref<40x128xf32, #tpu.memory_space<vmem>> -> memref<1x128xf32, #tpu.memory_space<vmem>>
    %dma_wait3A_245 = tpu.memref_squeeze %dma_wait3A_244 : memref<1x128xf32, #tpu.memory_space<vmem>> -> memref<128xf32, #tpu.memory_space<vmem>>
    %dma_wait3A_246 = arith.constant 0 : i32
    %dma_wait3A_247 = tpu.memref_slice %arg5[%dma_wait3A_241, %dma_wait3A_246] : memref<40x128xi32, #tpu.memory_space<vmem>> -> memref<1x128xi32, #tpu.memory_space<vmem>>
    %dma_wait3A_248 = tpu.memref_squeeze %dma_wait3A_247 : memref<1x128xi32, #tpu.memory_space<vmem>> -> memref<128xi32, #tpu.memory_space<vmem>>
    %dma_wait3A_249 = arith.constant 0 : i32
    %dma_wait3A_250 = tpu.memref_slice %arg2[%dma_wait3A_249] : memref<34078720xf32, #tpu.memory_space<hbm>> -> memref<34078720xf32, #tpu.memory_space<hbm>>
    tpu.wait_indirect_dma semaphore(%arg7 : memref<!tpu.dma_semaphore, #tpu.memory_space<semaphore_mem>>) src(%dma_wait3A_250 : memref<34078720xf32, #tpu.memory_space<hbm>>) dst(%dma_wait3A_245 : memref<128xf32, #tpu.memory_space<vmem>>)
    %dma_wait3A_251 = arith.constant 5 : i32
    %dma_wait3A_252 = arith.constant 5 : i32
    %dma_wait3A_253 = arith.constant 0 : i32
    %dma_wait3A_254 = tpu.memref_slice %arg6[%dma_wait3A_252, %dma_wait3A_253] : memref<40x128xf32, #tpu.memory_space<vmem>> -> memref<1x128xf32, #tpu.memory_space<vmem>>
    %dma_wait3A_255 = tpu.memref_squeeze %dma_wait3A_254 : memref<1x128xf32, #tpu.memory_space<vmem>> -> memref<128xf32, #tpu.memory_space<vmem>>
    %dma_wait3A_256 = arith.constant 0 : i32
    %dma_wait3A_257 = tpu.memref_slice %arg5[%dma_wait3A_251, %dma_wait3A_256] : memref<40x128xi32, #tpu.memory_space<vmem>> -> memref<1x128xi32, #tpu.memory_space<vmem>>
    %dma_wait3A_258 = tpu.memref_squeeze %dma_wait3A_257 : memref<1x128xi32, #tpu.memory_space<vmem>> -> memref<128xi32, #tpu.memory_space<vmem>>
    %dma_wait3A_259 = arith.constant 0 : i32
    %dma_wait3A_260 = tpu.memref_slice %arg2[%dma_wait3A_259] : memref<34078720xf32, #tpu.memory_space<hbm>> -> memref<34078720xf32, #tpu.memory_space<hbm>>
    tpu.wait_indirect_dma semaphore(%arg7 : memref<!tpu.dma_semaphore, #tpu.memory_space<semaphore_mem>>) src(%dma_wait3A_260 : memref<34078720xf32, #tpu.memory_space<hbm>>) dst(%dma_wait3A_255 : memref<128xf32, #tpu.memory_space<vmem>>)
    %dma_wait3A_261 = arith.constant 6 : i32
    %dma_wait3A_262 = arith.constant 6 : i32
    %dma_wait3A_263 = arith.constant 0 : i32
    %dma_wait3A_264 = tpu.memref_slice %arg6[%dma_wait3A_262, %dma_wait3A_263] : memref<40x128xf32, #tpu.memory_space<vmem>> -> memref<1x128xf32, #tpu.memory_space<vmem>>
    %dma_wait3A_265 = tpu.memref_squeeze %dma_wait3A_264 : memref<1x128xf32, #tpu.memory_space<vmem>> -> memref<128xf32, #tpu.memory_space<vmem>>
    %dma_wait3A_266 = arith.constant 0 : i32
    %dma_wait3A_267 = tpu.memref_slice %arg5[%dma_wait3A_261, %dma_wait3A_266] : memref<40x128xi32, #tpu.memory_space<vmem>> -> memref<1x128xi32, #tpu.memory_space<vmem>>
    %dma_wait3A_268 = tpu.memref_squeeze %dma_wait3A_267 : memref<1x128xi32, #tpu.memory_space<vmem>> -> memref<128xi32, #tpu.memory_space<vmem>>
    %dma_wait3A_269 = arith.constant 0 : i32
    %dma_wait3A_270 = tpu.memref_slice %arg2[%dma_wait3A_269] : memref<34078720xf32, #tpu.memory_space<hbm>> -> memref<34078720xf32, #tpu.memory_space<hbm>>
    tpu.wait_indirect_dma semaphore(%arg7 : memref<!tpu.dma_semaphore, #tpu.memory_space<semaphore_mem>>) src(%dma_wait3A_270 : memref<34078720xf32, #tpu.memory_space<hbm>>) dst(%dma_wait3A_265 : memref<128xf32, #tpu.memory_space<vmem>>)
    %dma_wait3A_271 = arith.constant 7 : i32
    %dma_wait3A_272 = arith.constant 7 : i32
    %dma_wait3A_273 = arith.constant 0 : i32
    %dma_wait3A_274 = tpu.memref_slice %arg6[%dma_wait3A_272, %dma_wait3A_273] : memref<40x128xf32, #tpu.memory_space<vmem>> -> memref<1x128xf32, #tpu.memory_space<vmem>>
    %dma_wait3A_275 = tpu.memref_squeeze %dma_wait3A_274 : memref<1x128xf32, #tpu.memory_space<vmem>> -> memref<128xf32, #tpu.memory_space<vmem>>
    %dma_wait3A_276 = arith.constant 0 : i32
    %dma_wait3A_277 = tpu.memref_slice %arg5[%dma_wait3A_271, %dma_wait3A_276] : memref<40x128xi32, #tpu.memory_space<vmem>> -> memref<1x128xi32, #tpu.memory_space<vmem>>
    %dma_wait3A_278 = tpu.memref_squeeze %dma_wait3A_277 : memref<1x128xi32, #tpu.memory_space<vmem>> -> memref<128xi32, #tpu.memory_space<vmem>>
    %dma_wait3A_279 = arith.constant 0 : i32
    %dma_wait3A_280 = tpu.memref_slice %arg2[%dma_wait3A_279] : memref<34078720xf32, #tpu.memory_space<hbm>> -> memref<34078720xf32, #tpu.memory_space<hbm>>
    tpu.wait_indirect_dma semaphore(%arg7 : memref<!tpu.dma_semaphore, #tpu.memory_space<semaphore_mem>>) src(%dma_wait3A_280 : memref<34078720xf32, #tpu.memory_space<hbm>>) dst(%dma_wait3A_275 : memref<128xf32, #tpu.memory_space<vmem>>)
    %dma_wait3A_281 = arith.constant 8 : i32
    %dma_wait3A_282 = arith.constant 8 : i32
    %dma_wait3A_283 = arith.constant 0 : i32
    %dma_wait3A_284 = tpu.memref_slice %arg6[%dma_wait3A_282, %dma_wait3A_283] : memref<40x128xf32, #tpu.memory_space<vmem>> -> memref<1x128xf32, #tpu.memory_space<vmem>>
    %dma_wait3A_285 = tpu.memref_squeeze %dma_wait3A_284 : memref<1x128xf32, #tpu.memory_space<vmem>> -> memref<128xf32, #tpu.memory_space<vmem>>
    %dma_wait3A_286 = arith.constant 0 : i32
    %dma_wait3A_287 = tpu.memref_slice %arg5[%dma_wait3A_281, %dma_wait3A_286] : memref<40x128xi32, #tpu.memory_space<vmem>> -> memref<1x128xi32, #tpu.memory_space<vmem>>
    %dma_wait3A_288 = tpu.memref_squeeze %dma_wait3A_287 : memref<1x128xi32, #tpu.memory_space<vmem>> -> memref<128xi32, #tpu.memory_space<vmem>>
    %dma_wait3A_289 = arith.constant 0 : i32
    %dma_wait3A_290 = tpu.memref_slice %arg2[%dma_wait3A_289] : memref<34078720xf32, #tpu.memory_space<hbm>> -> memref<34078720xf32, #tpu.memory_space<hbm>>
    tpu.wait_indirect_dma semaphore(%arg7 : memref<!tpu.dma_semaphore, #tpu.memory_space<semaphore_mem>>) src(%dma_wait3A_290 : memref<34078720xf32, #tpu.memory_space<hbm>>) dst(%dma_wait3A_285 : memref<128xf32, #tpu.memory_space<vmem>>)
    %dma_wait3A_291 = arith.constant 9 : i32
    %dma_wait3A_292 = arith.constant 9 : i32
    %dma_wait3A_293 = arith.constant 0 : i32
    %dma_wait3A_294 = tpu.memref_slice %arg6[%dma_wait3A_292, %dma_wait3A_293] : memref<40x128xf32, #tpu.memory_space<vmem>> -> memref<1x128xf32, #tpu.memory_space<vmem>>
    %dma_wait3A_295 = tpu.memref_squeeze %dma_wait3A_294 : memref<1x128xf32, #tpu.memory_space<vmem>> -> memref<128xf32, #tpu.memory_space<vmem>>
    %dma_wait3A_296 = arith.constant 0 : i32
    %dma_wait3A_297 = tpu.memref_slice %arg5[%dma_wait3A_291, %dma_wait3A_296] : memref<40x128xi32, #tpu.memory_space<vmem>> -> memref<1x128xi32, #tpu.memory_space<vmem>>
    %dma_wait3A_298 = tpu.memref_squeeze %dma_wait3A_297 : memref<1x128xi32, #tpu.memory_space<vmem>> -> memref<128xi32, #tpu.memory_space<vmem>>
    %dma_wait3A_299 = arith.constant 0 : i32
    %dma_wait3A_300 = tpu.memref_slice %arg2[%dma_wait3A_299] : memref<34078720xf32, #tpu.memory_space<hbm>> -> memref<34078720xf32, #tpu.memory_space<hbm>>
    tpu.wait_indirect_dma semaphore(%arg7 : memref<!tpu.dma_semaphore, #tpu.memory_space<semaphore_mem>>) src(%dma_wait3A_300 : memref<34078720xf32, #tpu.memory_space<hbm>>) dst(%dma_wait3A_295 : memref<128xf32, #tpu.memory_space<vmem>>)
    %dma_wait3A_301 = arith.constant 10 : i32
    %dma_wait3A_302 = arith.constant 10 : i32
    %dma_wait3A_303 = arith.constant 0 : i32
    %dma_wait3A_304 = tpu.memref_slice %arg6[%dma_wait3A_302, %dma_wait3A_303] : memref<40x128xf32, #tpu.memory_space<vmem>> -> memref<1x128xf32, #tpu.memory_space<vmem>>
    %dma_wait3A_305 = tpu.memref_squeeze %dma_wait3A_304 : memref<1x128xf32, #tpu.memory_space<vmem>> -> memref<128xf32, #tpu.memory_space<vmem>>
    %dma_wait3A_306 = arith.constant 0 : i32
    %dma_wait3A_307 = tpu.memref_slice %arg5[%dma_wait3A_301, %dma_wait3A_306] : memref<40x128xi32, #tpu.memory_space<vmem>> -> memref<1x128xi32, #tpu.memory_space<vmem>>
    %dma_wait3A_308 = tpu.memref_squeeze %dma_wait3A_307 : memref<1x128xi32, #tpu.memory_space<vmem>> -> memref<128xi32, #tpu.memory_space<vmem>>
    %dma_wait3A_309 = arith.constant 0 : i32
    %dma_wait3A_310 = tpu.memref_slice %arg2[%dma_wait3A_309] : memref<34078720xf32, #tpu.memory_space<hbm>> -> memref<34078720xf32, #tpu.memory_space<hbm>>
    tpu.wait_indirect_dma semaphore(%arg7 : memref<!tpu.dma_semaphore, #tpu.memory_space<semaphore_mem>>) src(%dma_wait3A_310 : memref<34078720xf32, #tpu.memory_space<hbm>>) dst(%dma_wait3A_305 : memref<128xf32, #tpu.memory_space<vmem>>)
    %dma_wait3A_311 = arith.constant 11 : i32
    %dma_wait3A_312 = arith.constant 11 : i32
    %dma_wait3A_313 = arith.constant 0 : i32
    %dma_wait3A_314 = tpu.memref_slice %arg6[%dma_wait3A_312, %dma_wait3A_313] : memref<40x128xf32, #tpu.memory_space<vmem>> -> memref<1x128xf32, #tpu.memory_space<vmem>>
    %dma_wait3A_315 = tpu.memref_squeeze %dma_wait3A_314 : memref<1x128xf32, #tpu.memory_space<vmem>> -> memref<128xf32, #tpu.memory_space<vmem>>
    %dma_wait3A_316 = arith.constant 0 : i32
    %dma_wait3A_317 = tpu.memref_slice %arg5[%dma_wait3A_311, %dma_wait3A_316] : memref<40x128xi32, #tpu.memory_space<vmem>> -> memref<1x128xi32, #tpu.memory_space<vmem>>
    %dma_wait3A_318 = tpu.memref_squeeze %dma_wait3A_317 : memref<1x128xi32, #tpu.memory_space<vmem>> -> memref<128xi32, #tpu.memory_space<vmem>>
    %dma_wait3A_319 = arith.constant 0 : i32
    %dma_wait3A_320 = tpu.memref_slice %arg2[%dma_wait3A_319] : memref<34078720xf32, #tpu.memory_space<hbm>> -> memref<34078720xf32, #tpu.memory_space<hbm>>
    tpu.wait_indirect_dma semaphore(%arg7 : memref<!tpu.dma_semaphore, #tpu.memory_space<semaphore_mem>>) src(%dma_wait3A_320 : memref<34078720xf32, #tpu.memory_space<hbm>>) dst(%dma_wait3A_315 : memref<128xf32, #tpu.memory_space<vmem>>)
    %dma_wait3A_321 = arith.constant 12 : i32
    %dma_wait3A_322 = arith.constant 12 : i32
    %dma_wait3A_323 = arith.constant 0 : i32
    %dma_wait3A_324 = tpu.memref_slice %arg6[%dma_wait3A_322, %dma_wait3A_323] : memref<40x128xf32, #tpu.memory_space<vmem>> -> memref<1x128xf32, #tpu.memory_space<vmem>>
    %dma_wait3A_325 = tpu.memref_squeeze %dma_wait3A_324 : memref<1x128xf32, #tpu.memory_space<vmem>> -> memref<128xf32, #tpu.memory_space<vmem>>
    %dma_wait3A_326 = arith.constant 0 : i32
    %dma_wait3A_327 = tpu.memref_slice %arg5[%dma_wait3A_321, %dma_wait3A_326] : memref<40x128xi32, #tpu.memory_space<vmem>> -> memref<1x128xi32, #tpu.memory_space<vmem>>
    %dma_wait3A_328 = tpu.memref_squeeze %dma_wait3A_327 : memref<1x128xi32, #tpu.memory_space<vmem>> -> memref<128xi32, #tpu.memory_space<vmem>>
    %dma_wait3A_329 = arith.constant 0 : i32
    %dma_wait3A_330 = tpu.memref_slice %arg2[%dma_wait3A_329] : memref<34078720xf32, #tpu.memory_space<hbm>> -> memref<34078720xf32, #tpu.memory_space<hbm>>
    tpu.wait_indirect_dma semaphore(%arg7 : memref<!tpu.dma_semaphore, #tpu.memory_space<semaphore_mem>>) src(%dma_wait3A_330 : memref<34078720xf32, #tpu.memory_space<hbm>>) dst(%dma_wait3A_325 : memref<128xf32, #tpu.memory_space<vmem>>)
    %dma_wait3A_331 = arith.constant 13 : i32
    %dma_wait3A_332 = arith.constant 13 : i32
    %dma_wait3A_333 = arith.constant 0 : i32
    %dma_wait3A_334 = tpu.memref_slice %arg6[%dma_wait3A_332, %dma_wait3A_333] : memref<40x128xf32, #tpu.memory_space<vmem>> -> memref<1x128xf32, #tpu.memory_space<vmem>>
    %dma_wait3A_335 = tpu.memref_squeeze %dma_wait3A_334 : memref<1x128xf32, #tpu.memory_space<vmem>> -> memref<128xf32, #tpu.memory_space<vmem>>
    %dma_wait3A_336 = arith.constant 0 : i32
    %dma_wait3A_337 = tpu.memref_slice %arg5[%dma_wait3A_331, %dma_wait3A_336] : memref<40x128xi32, #tpu.memory_space<vmem>> -> memref<1x128xi32, #tpu.memory_space<vmem>>
    %dma_wait3A_338 = tpu.memref_squeeze %dma_wait3A_337 : memref<1x128xi32, #tpu.memory_space<vmem>> -> memref<128xi32, #tpu.memory_space<vmem>>
    %dma_wait3A_339 = arith.constant 0 : i32
    %dma_wait3A_340 = tpu.memref_slice %arg2[%dma_wait3A_339] : memref<34078720xf32, #tpu.memory_space<hbm>> -> memref<34078720xf32, #tpu.memory_space<hbm>>
    tpu.wait_indirect_dma semaphore(%arg7 : memref<!tpu.dma_semaphore, #tpu.memory_space<semaphore_mem>>) src(%dma_wait3A_340 : memref<34078720xf32, #tpu.memory_space<hbm>>) dst(%dma_wait3A_335 : memref<128xf32, #tpu.memory_space<vmem>>)
    %dma_wait3A_341 = arith.constant 14 : i32
    %dma_wait3A_342 = arith.constant 14 : i32
    %dma_wait3A_343 = arith.constant 0 : i32
    %dma_wait3A_344 = tpu.memref_slice %arg6[%dma_wait3A_342, %dma_wait3A_343] : memref<40x128xf32, #tpu.memory_space<vmem>> -> memref<1x128xf32, #tpu.memory_space<vmem>>
    %dma_wait3A_345 = tpu.memref_squeeze %dma_wait3A_344 : memref<1x128xf32, #tpu.memory_space<vmem>> -> memref<128xf32, #tpu.memory_space<vmem>>
    %dma_wait3A_346 = arith.constant 0 : i32
    %dma_wait3A_347 = tpu.memref_slice %arg5[%dma_wait3A_341, %dma_wait3A_346] : memref<40x128xi32, #tpu.memory_space<vmem>> -> memref<1x128xi32, #tpu.memory_space<vmem>>
    %dma_wait3A_348 = tpu.memref_squeeze %dma_wait3A_347 : memref<1x128xi32, #tpu.memory_space<vmem>> -> memref<128xi32, #tpu.memory_space<vmem>>
    %dma_wait3A_349 = arith.constant 0 : i32
    %dma_wait3A_350 = tpu.memref_slice %arg2[%dma_wait3A_349] : memref<34078720xf32, #tpu.memory_space<hbm>> -> memref<34078720xf32, #tpu.memory_space<hbm>>
    tpu.wait_indirect_dma semaphore(%arg7 : memref<!tpu.dma_semaphore, #tpu.memory_space<semaphore_mem>>) src(%dma_wait3A_350 : memref<34078720xf32, #tpu.memory_space<hbm>>) dst(%dma_wait3A_345 : memref<128xf32, #tpu.memory_space<vmem>>)
    %dma_wait3A_351 = arith.constant 15 : i32
    %dma_wait3A_352 = arith.constant 15 : i32
    %dma_wait3A_353 = arith.constant 0 : i32
    %dma_wait3A_354 = tpu.memref_slice %arg6[%dma_wait3A_352, %dma_wait3A_353] : memref<40x128xf32, #tpu.memory_space<vmem>> -> memref<1x128xf32, #tpu.memory_space<vmem>>
    %dma_wait3A_355 = tpu.memref_squeeze %dma_wait3A_354 : memref<1x128xf32, #tpu.memory_space<vmem>> -> memref<128xf32, #tpu.memory_space<vmem>>
    %dma_wait3A_356 = arith.constant 0 : i32
    %dma_wait3A_357 = tpu.memref_slice %arg5[%dma_wait3A_351, %dma_wait3A_356] : memref<40x128xi32, #tpu.memory_space<vmem>> -> memref<1x128xi32, #tpu.memory_space<vmem>>
    %dma_wait3A_358 = tpu.memref_squeeze %dma_wait3A_357 : memref<1x128xi32, #tpu.memory_space<vmem>> -> memref<128xi32, #tpu.memory_space<vmem>>
    %dma_wait3A_359 = arith.constant 0 : i32
    %dma_wait3A_360 = tpu.memref_slice %arg2[%dma_wait3A_359] : memref<34078720xf32, #tpu.memory_space<hbm>> -> memref<34078720xf32, #tpu.memory_space<hbm>>
    tpu.wait_indirect_dma semaphore(%arg7 : memref<!tpu.dma_semaphore, #tpu.memory_space<semaphore_mem>>) src(%dma_wait3A_360 : memref<34078720xf32, #tpu.memory_space<hbm>>) dst(%dma_wait3A_355 : memref<128xf32, #tpu.memory_space<vmem>>)
    %dma_wait3A_361 = arith.constant 16 : i32
    %dma_wait3A_362 = arith.constant 16 : i32
    %dma_wait3A_363 = arith.constant 0 : i32
    %dma_wait3A_364 = tpu.memref_slice %arg6[%dma_wait3A_362, %dma_wait3A_363] : memref<40x128xf32, #tpu.memory_space<vmem>> -> memref<1x128xf32, #tpu.memory_space<vmem>>
    %dma_wait3A_365 = tpu.memref_squeeze %dma_wait3A_364 : memref<1x128xf32, #tpu.memory_space<vmem>> -> memref<128xf32, #tpu.memory_space<vmem>>
    %dma_wait3A_366 = arith.constant 0 : i32
    %dma_wait3A_367 = tpu.memref_slice %arg5[%dma_wait3A_361, %dma_wait3A_366] : memref<40x128xi32, #tpu.memory_space<vmem>> -> memref<1x128xi32, #tpu.memory_space<vmem>>
    %dma_wait3A_368 = tpu.memref_squeeze %dma_wait3A_367 : memref<1x128xi32, #tpu.memory_space<vmem>> -> memref<128xi32, #tpu.memory_space<vmem>>
    %dma_wait3A_369 = arith.constant 0 : i32
    %dma_wait3A_370 = tpu.memref_slice %arg2[%dma_wait3A_369] : memref<34078720xf32, #tpu.memory_space<hbm>> -> memref<34078720xf32, #tpu.memory_space<hbm>>
    tpu.wait_indirect_dma semaphore(%arg7 : memref<!tpu.dma_semaphore, #tpu.memory_space<semaphore_mem>>) src(%dma_wait3A_370 : memref<34078720xf32, #tpu.memory_space<hbm>>) dst(%dma_wait3A_365 : memref<128xf32, #tpu.memory_space<vmem>>)
    %dma_wait3A_371 = arith.constant 17 : i32
    %dma_wait3A_372 = arith.constant 17 : i32
    %dma_wait3A_373 = arith.constant 0 : i32
    %dma_wait3A_374 = tpu.memref_slice %arg6[%dma_wait3A_372, %dma_wait3A_373] : memref<40x128xf32, #tpu.memory_space<vmem>> -> memref<1x128xf32, #tpu.memory_space<vmem>>
    %dma_wait3A_375 = tpu.memref_squeeze %dma_wait3A_374 : memref<1x128xf32, #tpu.memory_space<vmem>> -> memref<128xf32, #tpu.memory_space<vmem>>
    %dma_wait3A_376 = arith.constant 0 : i32
    %dma_wait3A_377 = tpu.memref_slice %arg5[%dma_wait3A_371, %dma_wait3A_376] : memref<40x128xi32, #tpu.memory_space<vmem>> -> memref<1x128xi32, #tpu.memory_space<vmem>>
    %dma_wait3A_378 = tpu.memref_squeeze %dma_wait3A_377 : memref<1x128xi32, #tpu.memory_space<vmem>> -> memref<128xi32, #tpu.memory_space<vmem>>
    %dma_wait3A_379 = arith.constant 0 : i32
    %dma_wait3A_380 = tpu.memref_slice %arg2[%dma_wait3A_379] : memref<34078720xf32, #tpu.memory_space<hbm>> -> memref<34078720xf32, #tpu.memory_space<hbm>>
    tpu.wait_indirect_dma semaphore(%arg7 : memref<!tpu.dma_semaphore, #tpu.memory_space<semaphore_mem>>) src(%dma_wait3A_380 : memref<34078720xf32, #tpu.memory_space<hbm>>) dst(%dma_wait3A_375 : memref<128xf32, #tpu.memory_space<vmem>>)
    %dma_wait3A_381 = arith.constant 18 : i32
    %dma_wait3A_382 = arith.constant 18 : i32
    %dma_wait3A_383 = arith.constant 0 : i32
    %dma_wait3A_384 = tpu.memref_slice %arg6[%dma_wait3A_382, %dma_wait3A_383] : memref<40x128xf32, #tpu.memory_space<vmem>> -> memref<1x128xf32, #tpu.memory_space<vmem>>
    %dma_wait3A_385 = tpu.memref_squeeze %dma_wait3A_384 : memref<1x128xf32, #tpu.memory_space<vmem>> -> memref<128xf32, #tpu.memory_space<vmem>>
    %dma_wait3A_386 = arith.constant 0 : i32
    %dma_wait3A_387 = tpu.memref_slice %arg5[%dma_wait3A_381, %dma_wait3A_386] : memref<40x128xi32, #tpu.memory_space<vmem>> -> memref<1x128xi32, #tpu.memory_space<vmem>>
    %dma_wait3A_388 = tpu.memref_squeeze %dma_wait3A_387 : memref<1x128xi32, #tpu.memory_space<vmem>> -> memref<128xi32, #tpu.memory_space<vmem>>
    %dma_wait3A_389 = arith.constant 0 : i32
    %dma_wait3A_390 = tpu.memref_slice %arg2[%dma_wait3A_389] : memref<34078720xf32, #tpu.memory_space<hbm>> -> memref<34078720xf32, #tpu.memory_space<hbm>>
    tpu.wait_indirect_dma semaphore(%arg7 : memref<!tpu.dma_semaphore, #tpu.memory_space<semaphore_mem>>) src(%dma_wait3A_390 : memref<34078720xf32, #tpu.memory_space<hbm>>) dst(%dma_wait3A_385 : memref<128xf32, #tpu.memory_space<vmem>>)
    %dma_wait3A_391 = arith.constant 19 : i32
    %dma_wait3A_392 = arith.constant 19 : i32
    %dma_wait3A_393 = arith.constant 0 : i32
    %dma_wait3A_394 = tpu.memref_slice %arg6[%dma_wait3A_392, %dma_wait3A_393] : memref<40x128xf32, #tpu.memory_space<vmem>> -> memref<1x128xf32, #tpu.memory_space<vmem>>
    %dma_wait3A_395 = tpu.memref_squeeze %dma_wait3A_394 : memref<1x128xf32, #tpu.memory_space<vmem>> -> memref<128xf32, #tpu.memory_space<vmem>>
    %dma_wait3A_396 = arith.constant 0 : i32
    %dma_wait3A_397 = tpu.memref_slice %arg5[%dma_wait3A_391, %dma_wait3A_396] : memref<40x128xi32, #tpu.memory_space<vmem>> -> memref<1x128xi32, #tpu.memory_space<vmem>>
    %dma_wait3A_398 = tpu.memref_squeeze %dma_wait3A_397 : memref<1x128xi32, #tpu.memory_space<vmem>> -> memref<128xi32, #tpu.memory_space<vmem>>
    %dma_wait3A_399 = arith.constant 0 : i32
    %dma_wait3A_400 = tpu.memref_slice %arg2[%dma_wait3A_399] : memref<34078720xf32, #tpu.memory_space<hbm>> -> memref<34078720xf32, #tpu.memory_space<hbm>>
    tpu.wait_indirect_dma semaphore(%arg7 : memref<!tpu.dma_semaphore, #tpu.memory_space<semaphore_mem>>) src(%dma_wait3A_400 : memref<34078720xf32, #tpu.memory_space<hbm>>) dst(%dma_wait3A_395 : memref<128xf32, #tpu.memory_space<vmem>>)
    %dma_start3A_401 = arith.constant 20 : i32
    %dma_start3A_402 = arith.constant 20 : i32
    %dma_start3A_403 = arith.constant 0 : i32
    %dma_start3A_404 = tpu.memref_slice %arg6[%dma_start3A_402, %dma_start3A_403] : memref<40x128xf32, #tpu.memory_space<vmem>> -> memref<1x128xf32, #tpu.memory_space<vmem>>
    %dma_start3A_405 = tpu.memref_squeeze %dma_start3A_404 : memref<1x128xf32, #tpu.memory_space<vmem>> -> memref<128xf32, #tpu.memory_space<vmem>>
    %dma_start3A_406 = arith.constant 0 : i32
    %dma_start3A_407 = tpu.memref_slice %arg5[%dma_start3A_401, %dma_start3A_406] : memref<40x128xi32, #tpu.memory_space<vmem>> -> memref<1x128xi32, #tpu.memory_space<vmem>>
    %dma_start3A_408 = tpu.memref_squeeze %dma_start3A_407 : memref<1x128xi32, #tpu.memory_space<vmem>> -> memref<128xi32, #tpu.memory_space<vmem>>
    %dma_start3A_409 = arith.constant 0 : i32
    %dma_start3A_410 = tpu.memref_slice %arg2[%dma_start3A_409] : memref<34078720xf32, #tpu.memory_space<hbm>> -> memref<34078720xf32, #tpu.memory_space<hbm>>
    tpu.enqueue_indirect_dma source(%dma_start3A_410 : memref<34078720xf32, #tpu.memory_space<hbm>>) target(%dma_start3A_405 : memref<128xf32, #tpu.memory_space<vmem>>) offsets(%dma_start3A_408 : memref<128xi32, #tpu.memory_space<vmem>>) semaphore(%arg7 : memref<!tpu.dma_semaphore, #tpu.memory_space<semaphore_mem>>)
    %dma_start3A_411 = arith.constant 21 : i32
    %dma_start3A_412 = arith.constant 21 : i32
    %dma_start3A_413 = arith.constant 0 : i32
    %dma_start3A_414 = tpu.memref_slice %arg6[%dma_start3A_412, %dma_start3A_413] : memref<40x128xf32, #tpu.memory_space<vmem>> -> memref<1x128xf32, #tpu.memory_space<vmem>>
    %dma_start3A_415 = tpu.memref_squeeze %dma_start3A_414 : memref<1x128xf32, #tpu.memory_space<vmem>> -> memref<128xf32, #tpu.memory_space<vmem>>
    %dma_start3A_416 = arith.constant 0 : i32
    %dma_start3A_417 = tpu.memref_slice %arg5[%dma_start3A_411, %dma_start3A_416] : memref<40x128xi32, #tpu.memory_space<vmem>> -> memref<1x128xi32, #tpu.memory_space<vmem>>
    %dma_start3A_418 = tpu.memref_squeeze %dma_start3A_417 : memref<1x128xi32, #tpu.memory_space<vmem>> -> memref<128xi32, #tpu.memory_space<vmem>>
    %dma_start3A_419 = arith.constant 0 : i32
    %dma_start3A_420 = tpu.memref_slice %arg2[%dma_start3A_419] : memref<34078720xf32, #tpu.memory_space<hbm>> -> memref<34078720xf32, #tpu.memory_space<hbm>>
    tpu.enqueue_indirect_dma source(%dma_start3A_420 : memref<34078720xf32, #tpu.memory_space<hbm>>) target(%dma_start3A_415 : memref<128xf32, #tpu.memory_space<vmem>>) offsets(%dma_start3A_418 : memref<128xi32, #tpu.memory_space<vmem>>) semaphore(%arg7 : memref<!tpu.dma_semaphore, #tpu.memory_space<semaphore_mem>>)
    %dma_start3A_421 = arith.constant 22 : i32
    %dma_start3A_422 = arith.constant 22 : i32
    %dma_start3A_423 = arith.constant 0 : i32
    %dma_start3A_424 = tpu.memref_slice %arg6[%dma_start3A_422, %dma_start3A_423] : memref<40x128xf32, #tpu.memory_space<vmem>> -> memref<1x128xf32, #tpu.memory_space<vmem>>
    %dma_start3A_425 = tpu.memref_squeeze %dma_start3A_424 : memref<1x128xf32, #tpu.memory_space<vmem>> -> memref<128xf32, #tpu.memory_space<vmem>>
    %dma_start3A_426 = arith.constant 0 : i32
    %dma_start3A_427 = tpu.memref_slice %arg5[%dma_start3A_421, %dma_start3A_426] : memref<40x128xi32, #tpu.memory_space<vmem>> -> memref<1x128xi32, #tpu.memory_space<vmem>>
    %dma_start3A_428 = tpu.memref_squeeze %dma_start3A_427 : memref<1x128xi32, #tpu.memory_space<vmem>> -> memref<128xi32, #tpu.memory_space<vmem>>
    %dma_start3A_429 = arith.constant 0 : i32
    %dma_start3A_430 = tpu.memref_slice %arg2[%dma_start3A_429] : memref<34078720xf32, #tpu.memory_space<hbm>> -> memref<34078720xf32, #tpu.memory_space<hbm>>
    tpu.enqueue_indirect_dma source(%dma_start3A_430 : memref<34078720xf32, #tpu.memory_space<hbm>>) target(%dma_start3A_425 : memref<128xf32, #tpu.memory_space<vmem>>) offsets(%dma_start3A_428 : memref<128xi32, #tpu.memory_space<vmem>>) semaphore(%arg7 : memref<!tpu.dma_semaphore, #tpu.memory_space<semaphore_mem>>)
    %dma_start3A_431 = arith.constant 23 : i32
    %dma_start3A_432 = arith.constant 23 : i32
    %dma_start3A_433 = arith.constant 0 : i32
    %dma_start3A_434 = tpu.memref_slice %arg6[%dma_start3A_432, %dma_start3A_433] : memref<40x128xf32, #tpu.memory_space<vmem>> -> memref<1x128xf32, #tpu.memory_space<vmem>>
    %dma_start3A_435 = tpu.memref_squeeze %dma_start3A_434 : memref<1x128xf32, #tpu.memory_space<vmem>> -> memref<128xf32, #tpu.memory_space<vmem>>
    %dma_start3A_436 = arith.constant 0 : i32
    %dma_start3A_437 = tpu.memref_slice %arg5[%dma_start3A_431, %dma_start3A_436] : memref<40x128xi32, #tpu.memory_space<vmem>> -> memref<1x128xi32, #tpu.memory_space<vmem>>
    %dma_start3A_438 = tpu.memref_squeeze %dma_start3A_437 : memref<1x128xi32, #tpu.memory_space<vmem>> -> memref<128xi32, #tpu.memory_space<vmem>>
    %dma_start3A_439 = arith.constant 0 : i32
    %dma_start3A_440 = tpu.memref_slice %arg2[%dma_start3A_439] : memref<34078720xf32, #tpu.memory_space<hbm>> -> memref<34078720xf32, #tpu.memory_space<hbm>>
    tpu.enqueue_indirect_dma source(%dma_start3A_440 : memref<34078720xf32, #tpu.memory_space<hbm>>) target(%dma_start3A_435 : memref<128xf32, #tpu.memory_space<vmem>>) offsets(%dma_start3A_438 : memref<128xi32, #tpu.memory_space<vmem>>) semaphore(%arg7 : memref<!tpu.dma_semaphore, #tpu.memory_space<semaphore_mem>>)
    %dma_start3A_441 = arith.constant 24 : i32
    %dma_start3A_442 = arith.constant 24 : i32
    %dma_start3A_443 = arith.constant 0 : i32
    %dma_start3A_444 = tpu.memref_slice %arg6[%dma_start3A_442, %dma_start3A_443] : memref<40x128xf32, #tpu.memory_space<vmem>> -> memref<1x128xf32, #tpu.memory_space<vmem>>
    %dma_start3A_445 = tpu.memref_squeeze %dma_start3A_444 : memref<1x128xf32, #tpu.memory_space<vmem>> -> memref<128xf32, #tpu.memory_space<vmem>>
    %dma_start3A_446 = arith.constant 0 : i32
    %dma_start3A_447 = tpu.memref_slice %arg5[%dma_start3A_441, %dma_start3A_446] : memref<40x128xi32, #tpu.memory_space<vmem>> -> memref<1x128xi32, #tpu.memory_space<vmem>>
    %dma_start3A_448 = tpu.memref_squeeze %dma_start3A_447 : memref<1x128xi32, #tpu.memory_space<vmem>> -> memref<128xi32, #tpu.memory_space<vmem>>
    %dma_start3A_449 = arith.constant 0 : i32
    %dma_start3A_450 = tpu.memref_slice %arg2[%dma_start3A_449] : memref<34078720xf32, #tpu.memory_space<hbm>> -> memref<34078720xf32, #tpu.memory_space<hbm>>
    tpu.enqueue_indirect_dma source(%dma_start3A_450 : memref<34078720xf32, #tpu.memory_space<hbm>>) target(%dma_start3A_445 : memref<128xf32, #tpu.memory_space<vmem>>) offsets(%dma_start3A_448 : memref<128xi32, #tpu.memory_space<vmem>>) semaphore(%arg7 : memref<!tpu.dma_semaphore, #tpu.memory_space<semaphore_mem>>)
    %dma_start3A_451 = arith.constant 25 : i32
    %dma_start3A_452 = arith.constant 25 : i32
    %dma_start3A_453 = arith.constant 0 : i32
    %dma_start3A_454 = tpu.memref_slice %arg6[%dma_start3A_452, %dma_start3A_453] : memref<40x128xf32, #tpu.memory_space<vmem>> -> memref<1x128xf32, #tpu.memory_space<vmem>>
    %dma_start3A_455 = tpu.memref_squeeze %dma_start3A_454 : memref<1x128xf32, #tpu.memory_space<vmem>> -> memref<128xf32, #tpu.memory_space<vmem>>
    %dma_start3A_456 = arith.constant 0 : i32
    %dma_start3A_457 = tpu.memref_slice %arg5[%dma_start3A_451, %dma_start3A_456] : memref<40x128xi32, #tpu.memory_space<vmem>> -> memref<1x128xi32, #tpu.memory_space<vmem>>
    %dma_start3A_458 = tpu.memref_squeeze %dma_start3A_457 : memref<1x128xi32, #tpu.memory_space<vmem>> -> memref<128xi32, #tpu.memory_space<vmem>>
    %dma_start3A_459 = arith.constant 0 : i32
    %dma_start3A_460 = tpu.memref_slice %arg2[%dma_start3A_459] : memref<34078720xf32, #tpu.memory_space<hbm>> -> memref<34078720xf32, #tpu.memory_space<hbm>>
    tpu.enqueue_indirect_dma source(%dma_start3A_460 : memref<34078720xf32, #tpu.memory_space<hbm>>) target(%dma_start3A_455 : memref<128xf32, #tpu.memory_space<vmem>>) offsets(%dma_start3A_458 : memref<128xi32, #tpu.memory_space<vmem>>) semaphore(%arg7 : memref<!tpu.dma_semaphore, #tpu.memory_space<semaphore_mem>>)
    %dma_start3A_461 = arith.constant 26 : i32
    %dma_start3A_462 = arith.constant 26 : i32
    %dma_start3A_463 = arith.constant 0 : i32
    %dma_start3A_464 = tpu.memref_slice %arg6[%dma_start3A_462, %dma_start3A_463] : memref<40x128xf32, #tpu.memory_space<vmem>> -> memref<1x128xf32, #tpu.memory_space<vmem>>
    %dma_start3A_465 = tpu.memref_squeeze %dma_start3A_464 : memref<1x128xf32, #tpu.memory_space<vmem>> -> memref<128xf32, #tpu.memory_space<vmem>>
    %dma_start3A_466 = arith.constant 0 : i32
    %dma_start3A_467 = tpu.memref_slice %arg5[%dma_start3A_461, %dma_start3A_466] : memref<40x128xi32, #tpu.memory_space<vmem>> -> memref<1x128xi32, #tpu.memory_space<vmem>>
    %dma_start3A_468 = tpu.memref_squeeze %dma_start3A_467 : memref<1x128xi32, #tpu.memory_space<vmem>> -> memref<128xi32, #tpu.memory_space<vmem>>
    %dma_start3A_469 = arith.constant 0 : i32
    %dma_start3A_470 = tpu.memref_slice %arg2[%dma_start3A_469] : memref<34078720xf32, #tpu.memory_space<hbm>> -> memref<34078720xf32, #tpu.memory_space<hbm>>
    tpu.enqueue_indirect_dma source(%dma_start3A_470 : memref<34078720xf32, #tpu.memory_space<hbm>>) target(%dma_start3A_465 : memref<128xf32, #tpu.memory_space<vmem>>) offsets(%dma_start3A_468 : memref<128xi32, #tpu.memory_space<vmem>>) semaphore(%arg7 : memref<!tpu.dma_semaphore, #tpu.memory_space<semaphore_mem>>)
    %dma_start3A_471 = arith.constant 27 : i32
    %dma_start3A_472 = arith.constant 27 : i32
    %dma_start3A_473 = arith.constant 0 : i32
    %dma_start3A_474 = tpu.memref_slice %arg6[%dma_start3A_472, %dma_start3A_473] : memref<40x128xf32, #tpu.memory_space<vmem>> -> memref<1x128xf32, #tpu.memory_space<vmem>>
    %dma_start3A_475 = tpu.memref_squeeze %dma_start3A_474 : memref<1x128xf32, #tpu.memory_space<vmem>> -> memref<128xf32, #tpu.memory_space<vmem>>
    %dma_start3A_476 = arith.constant 0 : i32
    %dma_start3A_477 = tpu.memref_slice %arg5[%dma_start3A_471, %dma_start3A_476] : memref<40x128xi32, #tpu.memory_space<vmem>> -> memref<1x128xi32, #tpu.memory_space<vmem>>
    %dma_start3A_478 = tpu.memref_squeeze %dma_start3A_477 : memref<1x128xi32, #tpu.memory_space<vmem>> -> memref<128xi32, #tpu.memory_space<vmem>>
    %dma_start3A_479 = arith.constant 0 : i32
    %dma_start3A_480 = tpu.memref_slice %arg2[%dma_start3A_479] : memref<34078720xf32, #tpu.memory_space<hbm>> -> memref<34078720xf32, #tpu.memory_space<hbm>>
    tpu.enqueue_indirect_dma source(%dma_start3A_480 : memref<34078720xf32, #tpu.memory_space<hbm>>) target(%dma_start3A_475 : memref<128xf32, #tpu.memory_space<vmem>>) offsets(%dma_start3A_478 : memref<128xi32, #tpu.memory_space<vmem>>) semaphore(%arg7 : memref<!tpu.dma_semaphore, #tpu.memory_space<semaphore_mem>>)
    %dma_start3A_481 = arith.constant 28 : i32
    %dma_start3A_482 = arith.constant 28 : i32
    %dma_start3A_483 = arith.constant 0 : i32
    %dma_start3A_484 = tpu.memref_slice %arg6[%dma_start3A_482, %dma_start3A_483] : memref<40x128xf32, #tpu.memory_space<vmem>> -> memref<1x128xf32, #tpu.memory_space<vmem>>
    %dma_start3A_485 = tpu.memref_squeeze %dma_start3A_484 : memref<1x128xf32, #tpu.memory_space<vmem>> -> memref<128xf32, #tpu.memory_space<vmem>>
    %dma_start3A_486 = arith.constant 0 : i32
    %dma_start3A_487 = tpu.memref_slice %arg5[%dma_start3A_481, %dma_start3A_486] : memref<40x128xi32, #tpu.memory_space<vmem>> -> memref<1x128xi32, #tpu.memory_space<vmem>>
    %dma_start3A_488 = tpu.memref_squeeze %dma_start3A_487 : memref<1x128xi32, #tpu.memory_space<vmem>> -> memref<128xi32, #tpu.memory_space<vmem>>
    %dma_start3A_489 = arith.constant 0 : i32
    %dma_start3A_490 = tpu.memref_slice %arg2[%dma_start3A_489] : memref<34078720xf32, #tpu.memory_space<hbm>> -> memref<34078720xf32, #tpu.memory_space<hbm>>
    tpu.enqueue_indirect_dma source(%dma_start3A_490 : memref<34078720xf32, #tpu.memory_space<hbm>>) target(%dma_start3A_485 : memref<128xf32, #tpu.memory_space<vmem>>) offsets(%dma_start3A_488 : memref<128xi32, #tpu.memory_space<vmem>>) semaphore(%arg7 : memref<!tpu.dma_semaphore, #tpu.memory_space<semaphore_mem>>)
    %dma_start3A_491 = arith.constant 29 : i32
    %dma_start3A_492 = arith.constant 29 : i32
    %dma_start3A_493 = arith.constant 0 : i32
    %dma_start3A_494 = tpu.memref_slice %arg6[%dma_start3A_492, %dma_start3A_493] : memref<40x128xf32, #tpu.memory_space<vmem>> -> memref<1x128xf32, #tpu.memory_space<vmem>>
    %dma_start3A_495 = tpu.memref_squeeze %dma_start3A_494 : memref<1x128xf32, #tpu.memory_space<vmem>> -> memref<128xf32, #tpu.memory_space<vmem>>
    %dma_start3A_496 = arith.constant 0 : i32
    %dma_start3A_497 = tpu.memref_slice %arg5[%dma_start3A_491, %dma_start3A_496] : memref<40x128xi32, #tpu.memory_space<vmem>> -> memref<1x128xi32, #tpu.memory_space<vmem>>
    %dma_start3A_498 = tpu.memref_squeeze %dma_start3A_497 : memref<1x128xi32, #tpu.memory_space<vmem>> -> memref<128xi32, #tpu.memory_space<vmem>>
    %dma_start3A_499 = arith.constant 0 : i32
    %dma_start3A_500 = tpu.memref_slice %arg2[%dma_start3A_499] : memref<34078720xf32, #tpu.memory_space<hbm>> -> memref<34078720xf32, #tpu.memory_space<hbm>>
    tpu.enqueue_indirect_dma source(%dma_start3A_500 : memref<34078720xf32, #tpu.memory_space<hbm>>) target(%dma_start3A_495 : memref<128xf32, #tpu.memory_space<vmem>>) offsets(%dma_start3A_498 : memref<128xi32, #tpu.memory_space<vmem>>) semaphore(%arg7 : memref<!tpu.dma_semaphore, #tpu.memory_space<semaphore_mem>>)
    %dma_start3A_501 = arith.constant 30 : i32
    %dma_start3A_502 = arith.constant 30 : i32
    %dma_start3A_503 = arith.constant 0 : i32
    %dma_start3A_504 = tpu.memref_slice %arg6[%dma_start3A_502, %dma_start3A_503] : memref<40x128xf32, #tpu.memory_space<vmem>> -> memref<1x128xf32, #tpu.memory_space<vmem>>
    %dma_start3A_505 = tpu.memref_squeeze %dma_start3A_504 : memref<1x128xf32, #tpu.memory_space<vmem>> -> memref<128xf32, #tpu.memory_space<vmem>>
    %dma_start3A_506 = arith.constant 0 : i32
    %dma_start3A_507 = tpu.memref_slice %arg5[%dma_start3A_501, %dma_start3A_506] : memref<40x128xi32, #tpu.memory_space<vmem>> -> memref<1x128xi32, #tpu.memory_space<vmem>>
    %dma_start3A_508 = tpu.memref_squeeze %dma_start3A_507 : memref<1x128xi32, #tpu.memory_space<vmem>> -> memref<128xi32, #tpu.memory_space<vmem>>
    %dma_start3A_509 = arith.constant 0 : i32
    %dma_start3A_510 = tpu.memref_slice %arg2[%dma_start3A_509] : memref<34078720xf32, #tpu.memory_space<hbm>> -> memref<34078720xf32, #tpu.memory_space<hbm>>
    tpu.enqueue_indirect_dma source(%dma_start3A_510 : memref<34078720xf32, #tpu.memory_space<hbm>>) target(%dma_start3A_505 : memref<128xf32, #tpu.memory_space<vmem>>) offsets(%dma_start3A_508 : memref<128xi32, #tpu.memory_space<vmem>>) semaphore(%arg7 : memref<!tpu.dma_semaphore, #tpu.memory_space<semaphore_mem>>)
    %dma_start3A_511 = arith.constant 31 : i32
    %dma_start3A_512 = arith.constant 31 : i32
    %dma_start3A_513 = arith.constant 0 : i32
    %dma_start3A_514 = tpu.memref_slice %arg6[%dma_start3A_512, %dma_start3A_513] : memref<40x128xf32, #tpu.memory_space<vmem>> -> memref<1x128xf32, #tpu.memory_space<vmem>>
    %dma_start3A_515 = tpu.memref_squeeze %dma_start3A_514 : memref<1x128xf32, #tpu.memory_space<vmem>> -> memref<128xf32, #tpu.memory_space<vmem>>
    %dma_start3A_516 = arith.constant 0 : i32
    %dma_start3A_517 = tpu.memref_slice %arg5[%dma_start3A_511, %dma_start3A_516] : memref<40x128xi32, #tpu.memory_space<vmem>> -> memref<1x128xi32, #tpu.memory_space<vmem>>
    %dma_start3A_518 = tpu.memref_squeeze %dma_start3A_517 : memref<1x128xi32, #tpu.memory_space<vmem>> -> memref<128xi32, #tpu.memory_space<vmem>>
    %dma_start3A_519 = arith.constant 0 : i32
    %dma_start3A_520 = tpu.memref_slice %arg2[%dma_start3A_519] : memref<34078720xf32, #tpu.memory_space<hbm>> -> memref<34078720xf32, #tpu.memory_space<hbm>>
    tpu.enqueue_indirect_dma source(%dma_start3A_520 : memref<34078720xf32, #tpu.memory_space<hbm>>) target(%dma_start3A_515 : memref<128xf32, #tpu.memory_space<vmem>>) offsets(%dma_start3A_518 : memref<128xi32, #tpu.memory_space<vmem>>) semaphore(%arg7 : memref<!tpu.dma_semaphore, #tpu.memory_space<semaphore_mem>>)
    %dma_start3A_521 = arith.constant 32 : i32
    %dma_start3A_522 = arith.constant 32 : i32
    %dma_start3A_523 = arith.constant 0 : i32
    %dma_start3A_524 = tpu.memref_slice %arg6[%dma_start3A_522, %dma_start3A_523] : memref<40x128xf32, #tpu.memory_space<vmem>> -> memref<1x128xf32, #tpu.memory_space<vmem>>
    %dma_start3A_525 = tpu.memref_squeeze %dma_start3A_524 : memref<1x128xf32, #tpu.memory_space<vmem>> -> memref<128xf32, #tpu.memory_space<vmem>>
    %dma_start3A_526 = arith.constant 0 : i32
    %dma_start3A_527 = tpu.memref_slice %arg5[%dma_start3A_521, %dma_start3A_526] : memref<40x128xi32, #tpu.memory_space<vmem>> -> memref<1x128xi32, #tpu.memory_space<vmem>>
    %dma_start3A_528 = tpu.memref_squeeze %dma_start3A_527 : memref<1x128xi32, #tpu.memory_space<vmem>> -> memref<128xi32, #tpu.memory_space<vmem>>
    %dma_start3A_529 = arith.constant 0 : i32
    %dma_start3A_530 = tpu.memref_slice %arg2[%dma_start3A_529] : memref<34078720xf32, #tpu.memory_space<hbm>> -> memref<34078720xf32, #tpu.memory_space<hbm>>
    tpu.enqueue_indirect_dma source(%dma_start3A_530 : memref<34078720xf32, #tpu.memory_space<hbm>>) target(%dma_start3A_525 : memref<128xf32, #tpu.memory_space<vmem>>) offsets(%dma_start3A_528 : memref<128xi32, #tpu.memory_space<vmem>>) semaphore(%arg7 : memref<!tpu.dma_semaphore, #tpu.memory_space<semaphore_mem>>)
    %dma_start3A_531 = arith.constant 33 : i32
    %dma_start3A_532 = arith.constant 33 : i32
    %dma_start3A_533 = arith.constant 0 : i32
    %dma_start3A_534 = tpu.memref_slice %arg6[%dma_start3A_532, %dma_start3A_533] : memref<40x128xf32, #tpu.memory_space<vmem>> -> memref<1x128xf32, #tpu.memory_space<vmem>>
    %dma_start3A_535 = tpu.memref_squeeze %dma_start3A_534 : memref<1x128xf32, #tpu.memory_space<vmem>> -> memref<128xf32, #tpu.memory_space<vmem>>
    %dma_start3A_536 = arith.constant 0 : i32
    %dma_start3A_537 = tpu.memref_slice %arg5[%dma_start3A_531, %dma_start3A_536] : memref<40x128xi32, #tpu.memory_space<vmem>> -> memref<1x128xi32, #tpu.memory_space<vmem>>
    %dma_start3A_538 = tpu.memref_squeeze %dma_start3A_537 : memref<1x128xi32, #tpu.memory_space<vmem>> -> memref<128xi32, #tpu.memory_space<vmem>>
    %dma_start3A_539 = arith.constant 0 : i32
    %dma_start3A_540 = tpu.memref_slice %arg2[%dma_start3A_539] : memref<34078720xf32, #tpu.memory_space<hbm>> -> memref<34078720xf32, #tpu.memory_space<hbm>>
    tpu.enqueue_indirect_dma source(%dma_start3A_540 : memref<34078720xf32, #tpu.memory_space<hbm>>) target(%dma_start3A_535 : memref<128xf32, #tpu.memory_space<vmem>>) offsets(%dma_start3A_538 : memref<128xi32, #tpu.memory_space<vmem>>) semaphore(%arg7 : memref<!tpu.dma_semaphore, #tpu.memory_space<semaphore_mem>>)
    %dma_start3A_541 = arith.constant 34 : i32
    %dma_start3A_542 = arith.constant 34 : i32
    %dma_start3A_543 = arith.constant 0 : i32
    %dma_start3A_544 = tpu.memref_slice %arg6[%dma_start3A_542, %dma_start3A_543] : memref<40x128xf32, #tpu.memory_space<vmem>> -> memref<1x128xf32, #tpu.memory_space<vmem>>
    %dma_start3A_545 = tpu.memref_squeeze %dma_start3A_544 : memref<1x128xf32, #tpu.memory_space<vmem>> -> memref<128xf32, #tpu.memory_space<vmem>>
    %dma_start3A_546 = arith.constant 0 : i32
    %dma_start3A_547 = tpu.memref_slice %arg5[%dma_start3A_541, %dma_start3A_546] : memref<40x128xi32, #tpu.memory_space<vmem>> -> memref<1x128xi32, #tpu.memory_space<vmem>>
    %dma_start3A_548 = tpu.memref_squeeze %dma_start3A_547 : memref<1x128xi32, #tpu.memory_space<vmem>> -> memref<128xi32, #tpu.memory_space<vmem>>
    %dma_start3A_549 = arith.constant 0 : i32
    %dma_start3A_550 = tpu.memref_slice %arg2[%dma_start3A_549] : memref<34078720xf32, #tpu.memory_space<hbm>> -> memref<34078720xf32, #tpu.memory_space<hbm>>
    tpu.enqueue_indirect_dma source(%dma_start3A_550 : memref<34078720xf32, #tpu.memory_space<hbm>>) target(%dma_start3A_545 : memref<128xf32, #tpu.memory_space<vmem>>) offsets(%dma_start3A_548 : memref<128xi32, #tpu.memory_space<vmem>>) semaphore(%arg7 : memref<!tpu.dma_semaphore, #tpu.memory_space<semaphore_mem>>)
    %dma_start3A_551 = arith.constant 35 : i32
    %dma_start3A_552 = arith.constant 35 : i32
    %dma_start3A_553 = arith.constant 0 : i32
    %dma_start3A_554 = tpu.memref_slice %arg6[%dma_start3A_552, %dma_start3A_553] : memref<40x128xf32, #tpu.memory_space<vmem>> -> memref<1x128xf32, #tpu.memory_space<vmem>>
    %dma_start3A_555 = tpu.memref_squeeze %dma_start3A_554 : memref<1x128xf32, #tpu.memory_space<vmem>> -> memref<128xf32, #tpu.memory_space<vmem>>
    %dma_start3A_556 = arith.constant 0 : i32
    %dma_start3A_557 = tpu.memref_slice %arg5[%dma_start3A_551, %dma_start3A_556] : memref<40x128xi32, #tpu.memory_space<vmem>> -> memref<1x128xi32, #tpu.memory_space<vmem>>
    %dma_start3A_558 = tpu.memref_squeeze %dma_start3A_557 : memref<1x128xi32, #tpu.memory_space<vmem>> -> memref<128xi32, #tpu.memory_space<vmem>>
    %dma_start3A_559 = arith.constant 0 : i32
    %dma_start3A_560 = tpu.memref_slice %arg2[%dma_start3A_559] : memref<34078720xf32, #tpu.memory_space<hbm>> -> memref<34078720xf32, #tpu.memory_space<hbm>>
    tpu.enqueue_indirect_dma source(%dma_start3A_560 : memref<34078720xf32, #tpu.memory_space<hbm>>) target(%dma_start3A_555 : memref<128xf32, #tpu.memory_space<vmem>>) offsets(%dma_start3A_558 : memref<128xi32, #tpu.memory_space<vmem>>) semaphore(%arg7 : memref<!tpu.dma_semaphore, #tpu.memory_space<semaphore_mem>>)
    %dma_start3A_561 = arith.constant 36 : i32
    %dma_start3A_562 = arith.constant 36 : i32
    %dma_start3A_563 = arith.constant 0 : i32
    %dma_start3A_564 = tpu.memref_slice %arg6[%dma_start3A_562, %dma_start3A_563] : memref<40x128xf32, #tpu.memory_space<vmem>> -> memref<1x128xf32, #tpu.memory_space<vmem>>
    %dma_start3A_565 = tpu.memref_squeeze %dma_start3A_564 : memref<1x128xf32, #tpu.memory_space<vmem>> -> memref<128xf32, #tpu.memory_space<vmem>>
    %dma_start3A_566 = arith.constant 0 : i32
    %dma_start3A_567 = tpu.memref_slice %arg5[%dma_start3A_561, %dma_start3A_566] : memref<40x128xi32, #tpu.memory_space<vmem>> -> memref<1x128xi32, #tpu.memory_space<vmem>>
    %dma_start3A_568 = tpu.memref_squeeze %dma_start3A_567 : memref<1x128xi32, #tpu.memory_space<vmem>> -> memref<128xi32, #tpu.memory_space<vmem>>
    %dma_start3A_569 = arith.constant 0 : i32
    %dma_start3A_570 = tpu.memref_slice %arg2[%dma_start3A_569] : memref<34078720xf32, #tpu.memory_space<hbm>> -> memref<34078720xf32, #tpu.memory_space<hbm>>
    tpu.enqueue_indirect_dma source(%dma_start3A_570 : memref<34078720xf32, #tpu.memory_space<hbm>>) target(%dma_start3A_565 : memref<128xf32, #tpu.memory_space<vmem>>) offsets(%dma_start3A_568 : memref<128xi32, #tpu.memory_space<vmem>>) semaphore(%arg7 : memref<!tpu.dma_semaphore, #tpu.memory_space<semaphore_mem>>)
    %dma_start3A_571 = arith.constant 37 : i32
    %dma_start3A_572 = arith.constant 37 : i32
    %dma_start3A_573 = arith.constant 0 : i32
    %dma_start3A_574 = tpu.memref_slice %arg6[%dma_start3A_572, %dma_start3A_573] : memref<40x128xf32, #tpu.memory_space<vmem>> -> memref<1x128xf32, #tpu.memory_space<vmem>>
    %dma_start3A_575 = tpu.memref_squeeze %dma_start3A_574 : memref<1x128xf32, #tpu.memory_space<vmem>> -> memref<128xf32, #tpu.memory_space<vmem>>
    %dma_start3A_576 = arith.constant 0 : i32
    %dma_start3A_577 = tpu.memref_slice %arg5[%dma_start3A_571, %dma_start3A_576] : memref<40x128xi32, #tpu.memory_space<vmem>> -> memref<1x128xi32, #tpu.memory_space<vmem>>
    %dma_start3A_578 = tpu.memref_squeeze %dma_start3A_577 : memref<1x128xi32, #tpu.memory_space<vmem>> -> memref<128xi32, #tpu.memory_space<vmem>>
    %dma_start3A_579 = arith.constant 0 : i32
    %dma_start3A_580 = tpu.memref_slice %arg2[%dma_start3A_579] : memref<34078720xf32, #tpu.memory_space<hbm>> -> memref<34078720xf32, #tpu.memory_space<hbm>>
    tpu.enqueue_indirect_dma source(%dma_start3A_580 : memref<34078720xf32, #tpu.memory_space<hbm>>) target(%dma_start3A_575 : memref<128xf32, #tpu.memory_space<vmem>>) offsets(%dma_start3A_578 : memref<128xi32, #tpu.memory_space<vmem>>) semaphore(%arg7 : memref<!tpu.dma_semaphore, #tpu.memory_space<semaphore_mem>>)
    %dma_start3A_581 = arith.constant 38 : i32
    %dma_start3A_582 = arith.constant 38 : i32
    %dma_start3A_583 = arith.constant 0 : i32
    %dma_start3A_584 = tpu.memref_slice %arg6[%dma_start3A_582, %dma_start3A_583] : memref<40x128xf32, #tpu.memory_space<vmem>> -> memref<1x128xf32, #tpu.memory_space<vmem>>
    %dma_start3A_585 = tpu.memref_squeeze %dma_start3A_584 : memref<1x128xf32, #tpu.memory_space<vmem>> -> memref<128xf32, #tpu.memory_space<vmem>>
    %dma_start3A_586 = arith.constant 0 : i32
    %dma_start3A_587 = tpu.memref_slice %arg5[%dma_start3A_581, %dma_start3A_586] : memref<40x128xi32, #tpu.memory_space<vmem>> -> memref<1x128xi32, #tpu.memory_space<vmem>>
    %dma_start3A_588 = tpu.memref_squeeze %dma_start3A_587 : memref<1x128xi32, #tpu.memory_space<vmem>> -> memref<128xi32, #tpu.memory_space<vmem>>
    %dma_start3A_589 = arith.constant 0 : i32
    %dma_start3A_590 = tpu.memref_slice %arg2[%dma_start3A_589] : memref<34078720xf32, #tpu.memory_space<hbm>> -> memref<34078720xf32, #tpu.memory_space<hbm>>
    tpu.enqueue_indirect_dma source(%dma_start3A_590 : memref<34078720xf32, #tpu.memory_space<hbm>>) target(%dma_start3A_585 : memref<128xf32, #tpu.memory_space<vmem>>) offsets(%dma_start3A_588 : memref<128xi32, #tpu.memory_space<vmem>>) semaphore(%arg7 : memref<!tpu.dma_semaphore, #tpu.memory_space<semaphore_mem>>)
    %dma_start3A_591 = arith.constant 39 : i32
    %dma_start3A_592 = arith.constant 39 : i32
    %dma_start3A_593 = arith.constant 0 : i32
    %dma_start3A_594 = tpu.memref_slice %arg6[%dma_start3A_592, %dma_start3A_593] : memref<40x128xf32, #tpu.memory_space<vmem>> -> memref<1x128xf32, #tpu.memory_space<vmem>>
    %dma_start3A_595 = tpu.memref_squeeze %dma_start3A_594 : memref<1x128xf32, #tpu.memory_space<vmem>> -> memref<128xf32, #tpu.memory_space<vmem>>
    %dma_start3A_596 = arith.constant 0 : i32
    %dma_start3A_597 = tpu.memref_slice %arg5[%dma_start3A_591, %dma_start3A_596] : memref<40x128xi32, #tpu.memory_space<vmem>> -> memref<1x128xi32, #tpu.memory_space<vmem>>
    %dma_start3A_598 = tpu.memref_squeeze %dma_start3A_597 : memref<1x128xi32, #tpu.memory_space<vmem>> -> memref<128xi32, #tpu.memory_space<vmem>>
    %dma_start3A_599 = arith.constant 0 : i32
    %dma_start3A_600 = tpu.memref_slice %arg2[%dma_start3A_599] : memref<34078720xf32, #tpu.memory_space<hbm>> -> memref<34078720xf32, #tpu.memory_space<hbm>>
    tpu.enqueue_indirect_dma source(%dma_start3A_600 : memref<34078720xf32, #tpu.memory_space<hbm>>) target(%dma_start3A_595 : memref<128xf32, #tpu.memory_space<vmem>>) offsets(%dma_start3A_598 : memref<128xi32, #tpu.memory_space<vmem>>) semaphore(%arg7 : memref<!tpu.dma_semaphore, #tpu.memory_space<semaphore_mem>>)
    %dma_wait3A_601 = arith.constant 20 : i32
    %dma_wait3A_602 = arith.constant 20 : i32
    %dma_wait3A_603 = arith.constant 0 : i32
    %dma_wait3A_604 = tpu.memref_slice %arg6[%dma_wait3A_602, %dma_wait3A_603] : memref<40x128xf32, #tpu.memory_space<vmem>> -> memref<1x128xf32, #tpu.memory_space<vmem>>
    %dma_wait3A_605 = tpu.memref_squeeze %dma_wait3A_604 : memref<1x128xf32, #tpu.memory_space<vmem>> -> memref<128xf32, #tpu.memory_space<vmem>>
    %dma_wait3A_606 = arith.constant 0 : i32
    %dma_wait3A_607 = tpu.memref_slice %arg5[%dma_wait3A_601, %dma_wait3A_606] : memref<40x128xi32, #tpu.memory_space<vmem>> -> memref<1x128xi32, #tpu.memory_space<vmem>>
    %dma_wait3A_608 = tpu.memref_squeeze %dma_wait3A_607 : memref<1x128xi32, #tpu.memory_space<vmem>> -> memref<128xi32, #tpu.memory_space<vmem>>
    %dma_wait3A_609 = arith.constant 0 : i32
    %dma_wait3A_610 = tpu.memref_slice %arg2[%dma_wait3A_609] : memref<34078720xf32, #tpu.memory_space<hbm>> -> memref<34078720xf32, #tpu.memory_space<hbm>>
    tpu.wait_indirect_dma semaphore(%arg7 : memref<!tpu.dma_semaphore, #tpu.memory_space<semaphore_mem>>) src(%dma_wait3A_610 : memref<34078720xf32, #tpu.memory_space<hbm>>) dst(%dma_wait3A_605 : memref<128xf32, #tpu.memory_space<vmem>>)
    %dma_wait3A_611 = arith.constant 21 : i32
    %dma_wait3A_612 = arith.constant 21 : i32
    %dma_wait3A_613 = arith.constant 0 : i32
    %dma_wait3A_614 = tpu.memref_slice %arg6[%dma_wait3A_612, %dma_wait3A_613] : memref<40x128xf32, #tpu.memory_space<vmem>> -> memref<1x128xf32, #tpu.memory_space<vmem>>
    %dma_wait3A_615 = tpu.memref_squeeze %dma_wait3A_614 : memref<1x128xf32, #tpu.memory_space<vmem>> -> memref<128xf32, #tpu.memory_space<vmem>>
    %dma_wait3A_616 = arith.constant 0 : i32
    %dma_wait3A_617 = tpu.memref_slice %arg5[%dma_wait3A_611, %dma_wait3A_616] : memref<40x128xi32, #tpu.memory_space<vmem>> -> memref<1x128xi32, #tpu.memory_space<vmem>>
    %dma_wait3A_618 = tpu.memref_squeeze %dma_wait3A_617 : memref<1x128xi32, #tpu.memory_space<vmem>> -> memref<128xi32, #tpu.memory_space<vmem>>
    %dma_wait3A_619 = arith.constant 0 : i32
    %dma_wait3A_620 = tpu.memref_slice %arg2[%dma_wait3A_619] : memref<34078720xf32, #tpu.memory_space<hbm>> -> memref<34078720xf32, #tpu.memory_space<hbm>>
    tpu.wait_indirect_dma semaphore(%arg7 : memref<!tpu.dma_semaphore, #tpu.memory_space<semaphore_mem>>) src(%dma_wait3A_620 : memref<34078720xf32, #tpu.memory_space<hbm>>) dst(%dma_wait3A_615 : memref<128xf32, #tpu.memory_space<vmem>>)
    %dma_wait3A_621 = arith.constant 22 : i32
    %dma_wait3A_622 = arith.constant 22 : i32
    %dma_wait3A_623 = arith.constant 0 : i32
    %dma_wait3A_624 = tpu.memref_slice %arg6[%dma_wait3A_622, %dma_wait3A_623] : memref<40x128xf32, #tpu.memory_space<vmem>> -> memref<1x128xf32, #tpu.memory_space<vmem>>
    %dma_wait3A_625 = tpu.memref_squeeze %dma_wait3A_624 : memref<1x128xf32, #tpu.memory_space<vmem>> -> memref<128xf32, #tpu.memory_space<vmem>>
    %dma_wait3A_626 = arith.constant 0 : i32
    %dma_wait3A_627 = tpu.memref_slice %arg5[%dma_wait3A_621, %dma_wait3A_626] : memref<40x128xi32, #tpu.memory_space<vmem>> -> memref<1x128xi32, #tpu.memory_space<vmem>>
    %dma_wait3A_628 = tpu.memref_squeeze %dma_wait3A_627 : memref<1x128xi32, #tpu.memory_space<vmem>> -> memref<128xi32, #tpu.memory_space<vmem>>
    %dma_wait3A_629 = arith.constant 0 : i32
    %dma_wait3A_630 = tpu.memref_slice %arg2[%dma_wait3A_629] : memref<34078720xf32, #tpu.memory_space<hbm>> -> memref<34078720xf32, #tpu.memory_space<hbm>>
    tpu.wait_indirect_dma semaphore(%arg7 : memref<!tpu.dma_semaphore, #tpu.memory_space<semaphore_mem>>) src(%dma_wait3A_630 : memref<34078720xf32, #tpu.memory_space<hbm>>) dst(%dma_wait3A_625 : memref<128xf32, #tpu.memory_space<vmem>>)
    %dma_wait3A_631 = arith.constant 23 : i32
    %dma_wait3A_632 = arith.constant 23 : i32
    %dma_wait3A_633 = arith.constant 0 : i32
    %dma_wait3A_634 = tpu.memref_slice %arg6[%dma_wait3A_632, %dma_wait3A_633] : memref<40x128xf32, #tpu.memory_space<vmem>> -> memref<1x128xf32, #tpu.memory_space<vmem>>
    %dma_wait3A_635 = tpu.memref_squeeze %dma_wait3A_634 : memref<1x128xf32, #tpu.memory_space<vmem>> -> memref<128xf32, #tpu.memory_space<vmem>>
    %dma_wait3A_636 = arith.constant 0 : i32
    %dma_wait3A_637 = tpu.memref_slice %arg5[%dma_wait3A_631, %dma_wait3A_636] : memref<40x128xi32, #tpu.memory_space<vmem>> -> memref<1x128xi32, #tpu.memory_space<vmem>>
    %dma_wait3A_638 = tpu.memref_squeeze %dma_wait3A_637 : memref<1x128xi32, #tpu.memory_space<vmem>> -> memref<128xi32, #tpu.memory_space<vmem>>
    %dma_wait3A_639 = arith.constant 0 : i32
    %dma_wait3A_640 = tpu.memref_slice %arg2[%dma_wait3A_639] : memref<34078720xf32, #tpu.memory_space<hbm>> -> memref<34078720xf32, #tpu.memory_space<hbm>>
    tpu.wait_indirect_dma semaphore(%arg7 : memref<!tpu.dma_semaphore, #tpu.memory_space<semaphore_mem>>) src(%dma_wait3A_640 : memref<34078720xf32, #tpu.memory_space<hbm>>) dst(%dma_wait3A_635 : memref<128xf32, #tpu.memory_space<vmem>>)
    %dma_wait3A_641 = arith.constant 24 : i32
    %dma_wait3A_642 = arith.constant 24 : i32
    %dma_wait3A_643 = arith.constant 0 : i32
    %dma_wait3A_644 = tpu.memref_slice %arg6[%dma_wait3A_642, %dma_wait3A_643] : memref<40x128xf32, #tpu.memory_space<vmem>> -> memref<1x128xf32, #tpu.memory_space<vmem>>
    %dma_wait3A_645 = tpu.memref_squeeze %dma_wait3A_644 : memref<1x128xf32, #tpu.memory_space<vmem>> -> memref<128xf32, #tpu.memory_space<vmem>>
    %dma_wait3A_646 = arith.constant 0 : i32
    %dma_wait3A_647 = tpu.memref_slice %arg5[%dma_wait3A_641, %dma_wait3A_646] : memref<40x128xi32, #tpu.memory_space<vmem>> -> memref<1x128xi32, #tpu.memory_space<vmem>>
    %dma_wait3A_648 = tpu.memref_squeeze %dma_wait3A_647 : memref<1x128xi32, #tpu.memory_space<vmem>> -> memref<128xi32, #tpu.memory_space<vmem>>
    %dma_wait3A_649 = arith.constant 0 : i32
    %dma_wait3A_650 = tpu.memref_slice %arg2[%dma_wait3A_649] : memref<34078720xf32, #tpu.memory_space<hbm>> -> memref<34078720xf32, #tpu.memory_space<hbm>>
    tpu.wait_indirect_dma semaphore(%arg7 : memref<!tpu.dma_semaphore, #tpu.memory_space<semaphore_mem>>) src(%dma_wait3A_650 : memref<34078720xf32, #tpu.memory_space<hbm>>) dst(%dma_wait3A_645 : memref<128xf32, #tpu.memory_space<vmem>>)
    %dma_wait3A_651 = arith.constant 25 : i32
    %dma_wait3A_652 = arith.constant 25 : i32
    %dma_wait3A_653 = arith.constant 0 : i32
    %dma_wait3A_654 = tpu.memref_slice %arg6[%dma_wait3A_652, %dma_wait3A_653] : memref<40x128xf32, #tpu.memory_space<vmem>> -> memref<1x128xf32, #tpu.memory_space<vmem>>
    %dma_wait3A_655 = tpu.memref_squeeze %dma_wait3A_654 : memref<1x128xf32, #tpu.memory_space<vmem>> -> memref<128xf32, #tpu.memory_space<vmem>>
    %dma_wait3A_656 = arith.constant 0 : i32
    %dma_wait3A_657 = tpu.memref_slice %arg5[%dma_wait3A_651, %dma_wait3A_656] : memref<40x128xi32, #tpu.memory_space<vmem>> -> memref<1x128xi32, #tpu.memory_space<vmem>>
    %dma_wait3A_658 = tpu.memref_squeeze %dma_wait3A_657 : memref<1x128xi32, #tpu.memory_space<vmem>> -> memref<128xi32, #tpu.memory_space<vmem>>
    %dma_wait3A_659 = arith.constant 0 : i32
    %dma_wait3A_660 = tpu.memref_slice %arg2[%dma_wait3A_659] : memref<34078720xf32, #tpu.memory_space<hbm>> -> memref<34078720xf32, #tpu.memory_space<hbm>>
    tpu.wait_indirect_dma semaphore(%arg7 : memref<!tpu.dma_semaphore, #tpu.memory_space<semaphore_mem>>) src(%dma_wait3A_660 : memref<34078720xf32, #tpu.memory_space<hbm>>) dst(%dma_wait3A_655 : memref<128xf32, #tpu.memory_space<vmem>>)
    %dma_wait3A_661 = arith.constant 26 : i32
    %dma_wait3A_662 = arith.constant 26 : i32
    %dma_wait3A_663 = arith.constant 0 : i32
    %dma_wait3A_664 = tpu.memref_slice %arg6[%dma_wait3A_662, %dma_wait3A_663] : memref<40x128xf32, #tpu.memory_space<vmem>> -> memref<1x128xf32, #tpu.memory_space<vmem>>
    %dma_wait3A_665 = tpu.memref_squeeze %dma_wait3A_664 : memref<1x128xf32, #tpu.memory_space<vmem>> -> memref<128xf32, #tpu.memory_space<vmem>>
    %dma_wait3A_666 = arith.constant 0 : i32
    %dma_wait3A_667 = tpu.memref_slice %arg5[%dma_wait3A_661, %dma_wait3A_666] : memref<40x128xi32, #tpu.memory_space<vmem>> -> memref<1x128xi32, #tpu.memory_space<vmem>>
    %dma_wait3A_668 = tpu.memref_squeeze %dma_wait3A_667 : memref<1x128xi32, #tpu.memory_space<vmem>> -> memref<128xi32, #tpu.memory_space<vmem>>
    %dma_wait3A_669 = arith.constant 0 : i32
    %dma_wait3A_670 = tpu.memref_slice %arg2[%dma_wait3A_669] : memref<34078720xf32, #tpu.memory_space<hbm>> -> memref<34078720xf32, #tpu.memory_space<hbm>>
    tpu.wait_indirect_dma semaphore(%arg7 : memref<!tpu.dma_semaphore, #tpu.memory_space<semaphore_mem>>) src(%dma_wait3A_670 : memref<34078720xf32, #tpu.memory_space<hbm>>) dst(%dma_wait3A_665 : memref<128xf32, #tpu.memory_space<vmem>>)
    %dma_wait3A_671 = arith.constant 27 : i32
    %dma_wait3A_672 = arith.constant 27 : i32
    %dma_wait3A_673 = arith.constant 0 : i32
    %dma_wait3A_674 = tpu.memref_slice %arg6[%dma_wait3A_672, %dma_wait3A_673] : memref<40x128xf32, #tpu.memory_space<vmem>> -> memref<1x128xf32, #tpu.memory_space<vmem>>
    %dma_wait3A_675 = tpu.memref_squeeze %dma_wait3A_674 : memref<1x128xf32, #tpu.memory_space<vmem>> -> memref<128xf32, #tpu.memory_space<vmem>>
    %dma_wait3A_676 = arith.constant 0 : i32
    %dma_wait3A_677 = tpu.memref_slice %arg5[%dma_wait3A_671, %dma_wait3A_676] : memref<40x128xi32, #tpu.memory_space<vmem>> -> memref<1x128xi32, #tpu.memory_space<vmem>>
    %dma_wait3A_678 = tpu.memref_squeeze %dma_wait3A_677 : memref<1x128xi32, #tpu.memory_space<vmem>> -> memref<128xi32, #tpu.memory_space<vmem>>
    %dma_wait3A_679 = arith.constant 0 : i32
    %dma_wait3A_680 = tpu.memref_slice %arg2[%dma_wait3A_679] : memref<34078720xf32, #tpu.memory_space<hbm>> -> memref<34078720xf32, #tpu.memory_space<hbm>>
    tpu.wait_indirect_dma semaphore(%arg7 : memref<!tpu.dma_semaphore, #tpu.memory_space<semaphore_mem>>) src(%dma_wait3A_680 : memref<34078720xf32, #tpu.memory_space<hbm>>) dst(%dma_wait3A_675 : memref<128xf32, #tpu.memory_space<vmem>>)
    %dma_wait3A_681 = arith.constant 28 : i32
    %dma_wait3A_682 = arith.constant 28 : i32
    %dma_wait3A_683 = arith.constant 0 : i32
    %dma_wait3A_684 = tpu.memref_slice %arg6[%dma_wait3A_682, %dma_wait3A_683] : memref<40x128xf32, #tpu.memory_space<vmem>> -> memref<1x128xf32, #tpu.memory_space<vmem>>
    %dma_wait3A_685 = tpu.memref_squeeze %dma_wait3A_684 : memref<1x128xf32, #tpu.memory_space<vmem>> -> memref<128xf32, #tpu.memory_space<vmem>>
    %dma_wait3A_686 = arith.constant 0 : i32
    %dma_wait3A_687 = tpu.memref_slice %arg5[%dma_wait3A_681, %dma_wait3A_686] : memref<40x128xi32, #tpu.memory_space<vmem>> -> memref<1x128xi32, #tpu.memory_space<vmem>>
    %dma_wait3A_688 = tpu.memref_squeeze %dma_wait3A_687 : memref<1x128xi32, #tpu.memory_space<vmem>> -> memref<128xi32, #tpu.memory_space<vmem>>
    %dma_wait3A_689 = arith.constant 0 : i32
    %dma_wait3A_690 = tpu.memref_slice %arg2[%dma_wait3A_689] : memref<34078720xf32, #tpu.memory_space<hbm>> -> memref<34078720xf32, #tpu.memory_space<hbm>>
    tpu.wait_indirect_dma semaphore(%arg7 : memref<!tpu.dma_semaphore, #tpu.memory_space<semaphore_mem>>) src(%dma_wait3A_690 : memref<34078720xf32, #tpu.memory_space<hbm>>) dst(%dma_wait3A_685 : memref<128xf32, #tpu.memory_space<vmem>>)
    %dma_wait3A_691 = arith.constant 29 : i32
    %dma_wait3A_692 = arith.constant 29 : i32
    %dma_wait3A_693 = arith.constant 0 : i32
    %dma_wait3A_694 = tpu.memref_slice %arg6[%dma_wait3A_692, %dma_wait3A_693] : memref<40x128xf32, #tpu.memory_space<vmem>> -> memref<1x128xf32, #tpu.memory_space<vmem>>
    %dma_wait3A_695 = tpu.memref_squeeze %dma_wait3A_694 : memref<1x128xf32, #tpu.memory_space<vmem>> -> memref<128xf32, #tpu.memory_space<vmem>>
    %dma_wait3A_696 = arith.constant 0 : i32
    %dma_wait3A_697 = tpu.memref_slice %arg5[%dma_wait3A_691, %dma_wait3A_696] : memref<40x128xi32, #tpu.memory_space<vmem>> -> memref<1x128xi32, #tpu.memory_space<vmem>>
    %dma_wait3A_698 = tpu.memref_squeeze %dma_wait3A_697 : memref<1x128xi32, #tpu.memory_space<vmem>> -> memref<128xi32, #tpu.memory_space<vmem>>
    %dma_wait3A_699 = arith.constant 0 : i32
    %dma_wait3A_700 = tpu.memref_slice %arg2[%dma_wait3A_699] : memref<34078720xf32, #tpu.memory_space<hbm>> -> memref<34078720xf32, #tpu.memory_space<hbm>>
    tpu.wait_indirect_dma semaphore(%arg7 : memref<!tpu.dma_semaphore, #tpu.memory_space<semaphore_mem>>) src(%dma_wait3A_700 : memref<34078720xf32, #tpu.memory_space<hbm>>) dst(%dma_wait3A_695 : memref<128xf32, #tpu.memory_space<vmem>>)
    %dma_wait3A_701 = arith.constant 30 : i32
    %dma_wait3A_702 = arith.constant 30 : i32
    %dma_wait3A_703 = arith.constant 0 : i32
    %dma_wait3A_704 = tpu.memref_slice %arg6[%dma_wait3A_702, %dma_wait3A_703] : memref<40x128xf32, #tpu.memory_space<vmem>> -> memref<1x128xf32, #tpu.memory_space<vmem>>
    %dma_wait3A_705 = tpu.memref_squeeze %dma_wait3A_704 : memref<1x128xf32, #tpu.memory_space<vmem>> -> memref<128xf32, #tpu.memory_space<vmem>>
    %dma_wait3A_706 = arith.constant 0 : i32
    %dma_wait3A_707 = tpu.memref_slice %arg5[%dma_wait3A_701, %dma_wait3A_706] : memref<40x128xi32, #tpu.memory_space<vmem>> -> memref<1x128xi32, #tpu.memory_space<vmem>>
    %dma_wait3A_708 = tpu.memref_squeeze %dma_wait3A_707 : memref<1x128xi32, #tpu.memory_space<vmem>> -> memref<128xi32, #tpu.memory_space<vmem>>
    %dma_wait3A_709 = arith.constant 0 : i32
    %dma_wait3A_710 = tpu.memref_slice %arg2[%dma_wait3A_709] : memref<34078720xf32, #tpu.memory_space<hbm>> -> memref<34078720xf32, #tpu.memory_space<hbm>>
    tpu.wait_indirect_dma semaphore(%arg7 : memref<!tpu.dma_semaphore, #tpu.memory_space<semaphore_mem>>) src(%dma_wait3A_710 : memref<34078720xf32, #tpu.memory_space<hbm>>) dst(%dma_wait3A_705 : memref<128xf32, #tpu.memory_space<vmem>>)
    %dma_wait3A_711 = arith.constant 31 : i32
    %dma_wait3A_712 = arith.constant 31 : i32
    %dma_wait3A_713 = arith.constant 0 : i32
    %dma_wait3A_714 = tpu.memref_slice %arg6[%dma_wait3A_712, %dma_wait3A_713] : memref<40x128xf32, #tpu.memory_space<vmem>> -> memref<1x128xf32, #tpu.memory_space<vmem>>
    %dma_wait3A_715 = tpu.memref_squeeze %dma_wait3A_714 : memref<1x128xf32, #tpu.memory_space<vmem>> -> memref<128xf32, #tpu.memory_space<vmem>>
    %dma_wait3A_716 = arith.constant 0 : i32
    %dma_wait3A_717 = tpu.memref_slice %arg5[%dma_wait3A_711, %dma_wait3A_716] : memref<40x128xi32, #tpu.memory_space<vmem>> -> memref<1x128xi32, #tpu.memory_space<vmem>>
    %dma_wait3A_718 = tpu.memref_squeeze %dma_wait3A_717 : memref<1x128xi32, #tpu.memory_space<vmem>> -> memref<128xi32, #tpu.memory_space<vmem>>
    %dma_wait3A_719 = arith.constant 0 : i32
    %dma_wait3A_720 = tpu.memref_slice %arg2[%dma_wait3A_719] : memref<34078720xf32, #tpu.memory_space<hbm>> -> memref<34078720xf32, #tpu.memory_space<hbm>>
    tpu.wait_indirect_dma semaphore(%arg7 : memref<!tpu.dma_semaphore, #tpu.memory_space<semaphore_mem>>) src(%dma_wait3A_720 : memref<34078720xf32, #tpu.memory_space<hbm>>) dst(%dma_wait3A_715 : memref<128xf32, #tpu.memory_space<vmem>>)
    %dma_wait3A_721 = arith.constant 32 : i32
    %dma_wait3A_722 = arith.constant 32 : i32
    %dma_wait3A_723 = arith.constant 0 : i32
    %dma_wait3A_724 = tpu.memref_slice %arg6[%dma_wait3A_722, %dma_wait3A_723] : memref<40x128xf32, #tpu.memory_space<vmem>> -> memref<1x128xf32, #tpu.memory_space<vmem>>
    %dma_wait3A_725 = tpu.memref_squeeze %dma_wait3A_724 : memref<1x128xf32, #tpu.memory_space<vmem>> -> memref<128xf32, #tpu.memory_space<vmem>>
    %dma_wait3A_726 = arith.constant 0 : i32
    %dma_wait3A_727 = tpu.memref_slice %arg5[%dma_wait3A_721, %dma_wait3A_726] : memref<40x128xi32, #tpu.memory_space<vmem>> -> memref<1x128xi32, #tpu.memory_space<vmem>>
    %dma_wait3A_728 = tpu.memref_squeeze %dma_wait3A_727 : memref<1x128xi32, #tpu.memory_space<vmem>> -> memref<128xi32, #tpu.memory_space<vmem>>
    %dma_wait3A_729 = arith.constant 0 : i32
    %dma_wait3A_730 = tpu.memref_slice %arg2[%dma_wait3A_729] : memref<34078720xf32, #tpu.memory_space<hbm>> -> memref<34078720xf32, #tpu.memory_space<hbm>>
    tpu.wait_indirect_dma semaphore(%arg7 : memref<!tpu.dma_semaphore, #tpu.memory_space<semaphore_mem>>) src(%dma_wait3A_730 : memref<34078720xf32, #tpu.memory_space<hbm>>) dst(%dma_wait3A_725 : memref<128xf32, #tpu.memory_space<vmem>>)
    %dma_wait3A_731 = arith.constant 33 : i32
    %dma_wait3A_732 = arith.constant 33 : i32
    %dma_wait3A_733 = arith.constant 0 : i32
    %dma_wait3A_734 = tpu.memref_slice %arg6[%dma_wait3A_732, %dma_wait3A_733] : memref<40x128xf32, #tpu.memory_space<vmem>> -> memref<1x128xf32, #tpu.memory_space<vmem>>
    %dma_wait3A_735 = tpu.memref_squeeze %dma_wait3A_734 : memref<1x128xf32, #tpu.memory_space<vmem>> -> memref<128xf32, #tpu.memory_space<vmem>>
    %dma_wait3A_736 = arith.constant 0 : i32
    %dma_wait3A_737 = tpu.memref_slice %arg5[%dma_wait3A_731, %dma_wait3A_736] : memref<40x128xi32, #tpu.memory_space<vmem>> -> memref<1x128xi32, #tpu.memory_space<vmem>>
    %dma_wait3A_738 = tpu.memref_squeeze %dma_wait3A_737 : memref<1x128xi32, #tpu.memory_space<vmem>> -> memref<128xi32, #tpu.memory_space<vmem>>
    %dma_wait3A_739 = arith.constant 0 : i32
    %dma_wait3A_740 = tpu.memref_slice %arg2[%dma_wait3A_739] : memref<34078720xf32, #tpu.memory_space<hbm>> -> memref<34078720xf32, #tpu.memory_space<hbm>>
    tpu.wait_indirect_dma semaphore(%arg7 : memref<!tpu.dma_semaphore, #tpu.memory_space<semaphore_mem>>) src(%dma_wait3A_740 : memref<34078720xf32, #tpu.memory_space<hbm>>) dst(%dma_wait3A_735 : memref<128xf32, #tpu.memory_space<vmem>>)
    %dma_wait3A_741 = arith.constant 34 : i32
    %dma_wait3A_742 = arith.constant 34 : i32
    %dma_wait3A_743 = arith.constant 0 : i32
    %dma_wait3A_744 = tpu.memref_slice %arg6[%dma_wait3A_742, %dma_wait3A_743] : memref<40x128xf32, #tpu.memory_space<vmem>> -> memref<1x128xf32, #tpu.memory_space<vmem>>
    %dma_wait3A_745 = tpu.memref_squeeze %dma_wait3A_744 : memref<1x128xf32, #tpu.memory_space<vmem>> -> memref<128xf32, #tpu.memory_space<vmem>>
    %dma_wait3A_746 = arith.constant 0 : i32
    %dma_wait3A_747 = tpu.memref_slice %arg5[%dma_wait3A_741, %dma_wait3A_746] : memref<40x128xi32, #tpu.memory_space<vmem>> -> memref<1x128xi32, #tpu.memory_space<vmem>>
    %dma_wait3A_748 = tpu.memref_squeeze %dma_wait3A_747 : memref<1x128xi32, #tpu.memory_space<vmem>> -> memref<128xi32, #tpu.memory_space<vmem>>
    %dma_wait3A_749 = arith.constant 0 : i32
    %dma_wait3A_750 = tpu.memref_slice %arg2[%dma_wait3A_749] : memref<34078720xf32, #tpu.memory_space<hbm>> -> memref<34078720xf32, #tpu.memory_space<hbm>>
    tpu.wait_indirect_dma semaphore(%arg7 : memref<!tpu.dma_semaphore, #tpu.memory_space<semaphore_mem>>) src(%dma_wait3A_750 : memref<34078720xf32, #tpu.memory_space<hbm>>) dst(%dma_wait3A_745 : memref<128xf32, #tpu.memory_space<vmem>>)
    %dma_wait3A_751 = arith.constant 35 : i32
    %dma_wait3A_752 = arith.constant 35 : i32
    %dma_wait3A_753 = arith.constant 0 : i32
    %dma_wait3A_754 = tpu.memref_slice %arg6[%dma_wait3A_752, %dma_wait3A_753] : memref<40x128xf32, #tpu.memory_space<vmem>> -> memref<1x128xf32, #tpu.memory_space<vmem>>
    %dma_wait3A_755 = tpu.memref_squeeze %dma_wait3A_754 : memref<1x128xf32, #tpu.memory_space<vmem>> -> memref<128xf32, #tpu.memory_space<vmem>>
    %dma_wait3A_756 = arith.constant 0 : i32
    %dma_wait3A_757 = tpu.memref_slice %arg5[%dma_wait3A_751, %dma_wait3A_756] : memref<40x128xi32, #tpu.memory_space<vmem>> -> memref<1x128xi32, #tpu.memory_space<vmem>>
    %dma_wait3A_758 = tpu.memref_squeeze %dma_wait3A_757 : memref<1x128xi32, #tpu.memory_space<vmem>> -> memref<128xi32, #tpu.memory_space<vmem>>
    %dma_wait3A_759 = arith.constant 0 : i32
    %dma_wait3A_760 = tpu.memref_slice %arg2[%dma_wait3A_759] : memref<34078720xf32, #tpu.memory_space<hbm>> -> memref<34078720xf32, #tpu.memory_space<hbm>>
    tpu.wait_indirect_dma semaphore(%arg7 : memref<!tpu.dma_semaphore, #tpu.memory_space<semaphore_mem>>) src(%dma_wait3A_760 : memref<34078720xf32, #tpu.memory_space<hbm>>) dst(%dma_wait3A_755 : memref<128xf32, #tpu.memory_space<vmem>>)
    %dma_wait3A_761 = arith.constant 36 : i32
    %dma_wait3A_762 = arith.constant 36 : i32
    %dma_wait3A_763 = arith.constant 0 : i32
    %dma_wait3A_764 = tpu.memref_slice %arg6[%dma_wait3A_762, %dma_wait3A_763] : memref<40x128xf32, #tpu.memory_space<vmem>> -> memref<1x128xf32, #tpu.memory_space<vmem>>
    %dma_wait3A_765 = tpu.memref_squeeze %dma_wait3A_764 : memref<1x128xf32, #tpu.memory_space<vmem>> -> memref<128xf32, #tpu.memory_space<vmem>>
    %dma_wait3A_766 = arith.constant 0 : i32
    %dma_wait3A_767 = tpu.memref_slice %arg5[%dma_wait3A_761, %dma_wait3A_766] : memref<40x128xi32, #tpu.memory_space<vmem>> -> memref<1x128xi32, #tpu.memory_space<vmem>>
    %dma_wait3A_768 = tpu.memref_squeeze %dma_wait3A_767 : memref<1x128xi32, #tpu.memory_space<vmem>> -> memref<128xi32, #tpu.memory_space<vmem>>
    %dma_wait3A_769 = arith.constant 0 : i32
    %dma_wait3A_770 = tpu.memref_slice %arg2[%dma_wait3A_769] : memref<34078720xf32, #tpu.memory_space<hbm>> -> memref<34078720xf32, #tpu.memory_space<hbm>>
    tpu.wait_indirect_dma semaphore(%arg7 : memref<!tpu.dma_semaphore, #tpu.memory_space<semaphore_mem>>) src(%dma_wait3A_770 : memref<34078720xf32, #tpu.memory_space<hbm>>) dst(%dma_wait3A_765 : memref<128xf32, #tpu.memory_space<vmem>>)
    %dma_wait3A_771 = arith.constant 37 : i32
    %dma_wait3A_772 = arith.constant 37 : i32
    %dma_wait3A_773 = arith.constant 0 : i32
    %dma_wait3A_774 = tpu.memref_slice %arg6[%dma_wait3A_772, %dma_wait3A_773] : memref<40x128xf32, #tpu.memory_space<vmem>> -> memref<1x128xf32, #tpu.memory_space<vmem>>
    %dma_wait3A_775 = tpu.memref_squeeze %dma_wait3A_774 : memref<1x128xf32, #tpu.memory_space<vmem>> -> memref<128xf32, #tpu.memory_space<vmem>>
    %dma_wait3A_776 = arith.constant 0 : i32
    %dma_wait3A_777 = tpu.memref_slice %arg5[%dma_wait3A_771, %dma_wait3A_776] : memref<40x128xi32, #tpu.memory_space<vmem>> -> memref<1x128xi32, #tpu.memory_space<vmem>>
    %dma_wait3A_778 = tpu.memref_squeeze %dma_wait3A_777 : memref<1x128xi32, #tpu.memory_space<vmem>> -> memref<128xi32, #tpu.memory_space<vmem>>
    %dma_wait3A_779 = arith.constant 0 : i32
    %dma_wait3A_780 = tpu.memref_slice %arg2[%dma_wait3A_779] : memref<34078720xf32, #tpu.memory_space<hbm>> -> memref<34078720xf32, #tpu.memory_space<hbm>>
    tpu.wait_indirect_dma semaphore(%arg7 : memref<!tpu.dma_semaphore, #tpu.memory_space<semaphore_mem>>) src(%dma_wait3A_780 : memref<34078720xf32, #tpu.memory_space<hbm>>) dst(%dma_wait3A_775 : memref<128xf32, #tpu.memory_space<vmem>>)
    %dma_wait3A_781 = arith.constant 38 : i32
    %dma_wait3A_782 = arith.constant 38 : i32
    %dma_wait3A_783 = arith.constant 0 : i32
    %dma_wait3A_784 = tpu.memref_slice %arg6[%dma_wait3A_782, %dma_wait3A_783] : memref<40x128xf32, #tpu.memory_space<vmem>> -> memref<1x128xf32, #tpu.memory_space<vmem>>
    %dma_wait3A_785 = tpu.memref_squeeze %dma_wait3A_784 : memref<1x128xf32, #tpu.memory_space<vmem>> -> memref<128xf32, #tpu.memory_space<vmem>>
    %dma_wait3A_786 = arith.constant 0 : i32
    %dma_wait3A_787 = tpu.memref_slice %arg5[%dma_wait3A_781, %dma_wait3A_786] : memref<40x128xi32, #tpu.memory_space<vmem>> -> memref<1x128xi32, #tpu.memory_space<vmem>>
    %dma_wait3A_788 = tpu.memref_squeeze %dma_wait3A_787 : memref<1x128xi32, #tpu.memory_space<vmem>> -> memref<128xi32, #tpu.memory_space<vmem>>
    %dma_wait3A_789 = arith.constant 0 : i32
    %dma_wait3A_790 = tpu.memref_slice %arg2[%dma_wait3A_789] : memref<34078720xf32, #tpu.memory_space<hbm>> -> memref<34078720xf32, #tpu.memory_space<hbm>>
    tpu.wait_indirect_dma semaphore(%arg7 : memref<!tpu.dma_semaphore, #tpu.memory_space<semaphore_mem>>) src(%dma_wait3A_790 : memref<34078720xf32, #tpu.memory_space<hbm>>) dst(%dma_wait3A_785 : memref<128xf32, #tpu.memory_space<vmem>>)
    %dma_wait3A_791 = arith.constant 39 : i32
    %dma_wait3A_792 = arith.constant 39 : i32
    %dma_wait3A_793 = arith.constant 0 : i32
    %dma_wait3A_794 = tpu.memref_slice %arg6[%dma_wait3A_792, %dma_wait3A_793] : memref<40x128xf32, #tpu.memory_space<vmem>> -> memref<1x128xf32, #tpu.memory_space<vmem>>
    %dma_wait3A_795 = tpu.memref_squeeze %dma_wait3A_794 : memref<1x128xf32, #tpu.memory_space<vmem>> -> memref<128xf32, #tpu.memory_space<vmem>>
    %dma_wait3A_796 = arith.constant 0 : i32
    %dma_wait3A_797 = tpu.memref_slice %arg5[%dma_wait3A_791, %dma_wait3A_796] : memref<40x128xi32, #tpu.memory_space<vmem>> -> memref<1x128xi32, #tpu.memory_space<vmem>>
    %dma_wait3A_798 = tpu.memref_squeeze %dma_wait3A_797 : memref<1x128xi32, #tpu.memory_space<vmem>> -> memref<128xi32, #tpu.memory_space<vmem>>
    %dma_wait3A_799 = arith.constant 0 : i32
    %dma_wait3A_800 = tpu.memref_slice %arg2[%dma_wait3A_799] : memref<34078720xf32, #tpu.memory_space<hbm>> -> memref<34078720xf32, #tpu.memory_space<hbm>>
    tpu.wait_indirect_dma semaphore(%arg7 : memref<!tpu.dma_semaphore, #tpu.memory_space<semaphore_mem>>) src(%dma_wait3A_800 : memref<34078720xf32, #tpu.memory_space<hbm>>) dst(%dma_wait3A_795 : memref<128xf32, #tpu.memory_space<vmem>>)
    "tpu.region"() ({
      %run_scoped3A = tpu.sem_alloc : memref<!tpu.dma_semaphore, #tpu.memory_space<semaphore_mem>>
      %dma_start3A_801 = arith.constant 0 : i32
      %dma_start3A_802 = tpu.memref_slice %arg4[%mul3A_2, %dma_start3A_801] : memref<1280x128xf32, #tpu.memory_space<hbm>> -> memref<40x128xf32, #tpu.memory_space<hbm>>
      %dma_start3A_803 = arith.constant 0 : i32
      %dma_start3A_804 = tpu.memref_slice %arg4[%mul3A_2, %dma_start3A_803] : memref<1280x128xf32, #tpu.memory_space<hbm>> -> memref<40x128xf32, #tpu.memory_space<hbm>>
      tpu.enqueue_dma source(%arg6 : memref<40x128xf32, #tpu.memory_space<vmem>>) target(%dma_start3A_804 : memref<40x128xf32, #tpu.memory_space<hbm>>) target_semaphore(%run_scoped3A : memref<!tpu.dma_semaphore, #tpu.memory_space<semaphore_mem>>)
      %dma_wait3A_805 = arith.constant 0 : i32
      %dma_wait3A_806 = tpu.memref_slice %arg4[%mul3A_2, %dma_wait3A_805] : memref<1280x128xf32, #tpu.memory_space<hbm>> -> memref<40x128xf32, #tpu.memory_space<hbm>>
      %dma_wait3A_807 = arith.constant 0 : i32
      %dma_wait3A_808 = tpu.memref_slice %arg4[%mul3A_2, %dma_wait3A_807] : memref<1280x128xf32, #tpu.memory_space<hbm>> -> memref<40x128xf32, #tpu.memory_space<hbm>>
      tpu.wait_dma2 semaphore(%run_scoped3A : memref<!tpu.dma_semaphore, #tpu.memory_space<semaphore_mem>>) src(%arg6 : memref<40x128xf32, #tpu.memory_space<vmem>>) dst(%dma_wait3A_808 : memref<40x128xf32, #tpu.memory_space<hbm>>)
      tpu.yield
    }) : () -> ()
    return
  }
}

module attributes {stable_mosaic.version = 14 : i64} {
  func.func @_lse_body(%arg0: i32, %arg1: i32, %arg2: memref<1x16x65x512xf32, #tpu.memory_space<vmem>>, %arg3: memref<1x16x65xf32, #tpu.memory_space<vmem>>) attributes {dimension_semantics = [#tpu.dimension_semantics<parallel>, #tpu.dimension_semantics<parallel>], iteration_bounds = array<i64: 8, 8>, scalar_prefetch = 0 : i64, scratch_operands = 0 : i64, tpu.core_type = #tpu.core_type<tc>, window_params = [{transform_indices = @transform_0, window_bounds = array<i64: 1, 16, 65, 512>}, {transform_indices = @transform_1, window_bounds = array<i64: 1, 16, 65>}]} {
    %get3A = arith.constant 0 : index
    %get3A_0 = arith.constant 0 : index
    %get3A_1 = arith.constant 0 : index
    %get3A_2 = arith.constant 0 : index
    %get3A_3 = vector.load %arg2[%get3A, %get3A_0, %get3A_1, %get3A_2] : memref<1x16x65x512xf32, #tpu.memory_space<vmem>>, vector<1x16x65x512xf32>
    %get3A_4 = vector.shape_cast %get3A_3 : vector<1x16x65x512xf32> to vector<16x65x512xf32>
    %exp3A = math.exp %get3A_4 : vector<16x65x512xf32>
    %reduce_sum3A = arith.constant dense<0.000000e+00> : vector<16x65xf32>
    %reduce_sum3A_5 = vector.multi_reduction <add>, %exp3A, %reduce_sum3A [2] : vector<16x65x512xf32> to vector<16x65xf32>
    %log3A = math.log %reduce_sum3A_5 : vector<16x65xf32>
    %swap3A = arith.constant 0 : index
    %swap3A_6 = arith.constant 0 : index
    %swap3A_7 = arith.constant 0 : index
    %swap3A_8 = vector.load %arg3[%swap3A, %swap3A_6, %swap3A_7] : memref<1x16x65xf32, #tpu.memory_space<vmem>>, vector<1x16x65xf32>
    %swap3A_9 = vector.shape_cast %swap3A_8 : vector<1x16x65xf32> to vector<16x65xf32>
    %swap3A_10 = vector.shape_cast %log3A : vector<16x65xf32> to vector<1x16x65xf32>
    tpu.vector_store %arg3[%swap3A, %swap3A_6, %swap3A_7], %swap3A_10 {strides = array<i32>} : memref<1x16x65xf32, #tpu.memory_space<vmem>>, vector<1x16x65xf32>,
    return
  }
  func.func @transform_0(%arg0: i32, %arg1: i32) -> (i32, i32, i32, i32) {
    %c0_i32 = arith.constant 0 : i32
    %c0_i32_0 = arith.constant 0 : i32
    %c0_i32_1 = arith.constant 0 : i32
    return %arg0, %arg1, %c0_i32, %c0_i32_0 : i32, i32, i32, i32
  }
  func.func @transform_1(%arg0: i32, %arg1: i32) -> (i32, i32, i32) {
    %c0_i32 = arith.constant 0 : i32
    %c0_i32_0 = arith.constant 0 : i32
    return %arg0, %arg1, %c0_i32 : i32, i32, i32
  }
}

module attributes {stable_mosaic.version = 14 : i64} {
  func.func @_dp_body(%arg0: memref<192x8x128xf32, #tpu.memory_space<vmem>>, %arg1: memref<192x8x128xf32, #tpu.memory_space<vmem>>, %arg2: memref<192x8x128xf32, #tpu.memory_space<vmem>>, %arg3: memref<8x1xi32, #tpu.memory_space<vmem>>, %arg4: memref<8x1xi32, #tpu.memory_space<vmem>>, %arg5: memref<1x8xf32, #tpu.memory_space<vmem>>) attributes {dimension_semantics = [], scalar_prefetch = 0 : i64, scratch_operands = 0 : i64, tpu.core_type = #tpu.core_type<tc>} {
    %get3A = arith.constant 0 : index
    %get3A_0 = arith.constant 0 : index
    %get3A_1 = vector.load %arg3[%get3A, %get3A_0] : memref<8x1xi32, #tpu.memory_space<vmem>>, vector<8x1xi32>
    %sub3A = arith.constant 1 : i32
    %sub3A_2 = vector.broadcast %sub3A : i32 to vector<8x1xi32>
    %sub3A_3 = arith.subi %get3A_1, %sub3A_2 : vector<8x1xi32>
    %get3A_4 = arith.constant 0 : index
    %get3A_5 = arith.constant 0 : index
    %get3A_6 = vector.load %arg4[%get3A_4, %get3A_5] : memref<8x1xi32, #tpu.memory_space<vmem>>, vector<8x1xi32>
    %add3A = arith.addi %sub3A_3, %get3A_6 : vector<8x1xi32>
    %iota3A = tpu.iota {dimensions = array<i32: 1>} : vector<8x128xi32>
    %eq3A = arith.constant 0 : i32
    %eq3A_7 = vector.broadcast %eq3A : i32 to vector<8x128xi32>
    %eq3A_8 = arith.cmpi eq, %iota3A, %eq3A_7 : vector<8x128xi32>
    %jit3A = arith.constant 0.000000e+00 : f32
    %jit3A_9 = arith.constant -1.000000e+30 : f32
    %broadcast_in_dim3A = vector.broadcast %jit3A : f32 to vector<8x128xf32>
    %broadcast_in_dim3A_10 = vector.broadcast %jit3A_9 : f32 to vector<8x128xf32>
    %select_n3A = arith.select %eq3A_8, %broadcast_in_dim3A, %broadcast_in_dim3A_10 : vector<8x128xi1>, vector<8x128xf32>
    %broadcast_in_dim3A_11 = arith.constant 0.000000e+00 : f32
    %broadcast_in_dim3A_12 = vector.broadcast %broadcast_in_dim3A_11 : f32 to vector<8x128xf32>
    %scan3A = arith.constant 1 : i32
    %scan3A_13 = arith.constant 191 : i32
    %scan3A_14 = arith.addi %scan3A, %scan3A_13 : i32
    %scan3A_15 = arith.constant 1 : i32
    %scan3A_16:2 = scf.for %scan3A_25 = %scan3A to %scan3A_14 step %scan3A_15 iter_args(%scan3A_26 = %select_n3A, %scan3A_27 = %broadcast_in_dim3A_12) -> (vector<8x128xf32>, vector<8x128xf32>)  : i32 {
      %sub3A_28 = arith.constant 1 : i32
      %sub3A_29 = arith.subi %scan3A_25, %sub3A_28 : i32
      %get3A_30 = arith.index_cast %sub3A_29 : i32 to index
      %get3A_31 = arith.constant 0 : index
      %get3A_32 = arith.constant 0 : index
      %get3A_33 = vector.load %arg0[%get3A_30, %get3A_31, %get3A_32] : memref<192x8x128xf32, #tpu.memory_space<vmem>>, vector<1x8x128xf32>
      %get3A_34 = vector.shape_cast %get3A_33 : vector<1x8x128xf32> to vector<8x128xf32>
      %sub3A_35 = arith.constant 1 : i32
      %sub3A_36 = arith.subi %scan3A_25, %sub3A_35 : i32
      %get3A_37 = arith.index_cast %sub3A_36 : i32 to index
      %get3A_38 = arith.constant 0 : index
      %get3A_39 = arith.constant 0 : index
      %get3A_40 = vector.load %arg2[%get3A_37, %get3A_38, %get3A_39] : memref<192x8x128xf32, #tpu.memory_space<vmem>>, vector<1x8x128xf32>
      %get3A_41 = vector.shape_cast %get3A_40 : vector<1x8x128xf32> to vector<8x128xf32>
      %sub3A_42 = arith.subf %get3A_34, %get3A_41 : vector<8x128xf32>
      %sub3A_43 = arith.constant 1 : i32
      %sub3A_44 = arith.subi %scan3A_25, %sub3A_43 : i32
      %get3A_45 = arith.index_cast %sub3A_44 : i32 to index
      %get3A_46 = arith.constant 0 : index
      %get3A_47 = arith.constant 0 : index
      %get3A_48 = vector.load %arg1[%get3A_45, %get3A_46, %get3A_47] : memref<192x8x128xf32, #tpu.memory_space<vmem>>, vector<1x8x128xf32>
      %get3A_49 = vector.shape_cast %get3A_48 : vector<1x8x128xf32> to vector<8x128xf32>
      %sub3A_50 = arith.constant 1 : i32
      %sub3A_51 = arith.subi %scan3A_25, %sub3A_50 : i32
      %get3A_52 = arith.index_cast %sub3A_51 : i32 to index
      %get3A_53 = arith.constant 0 : index
      %get3A_54 = arith.constant 0 : index
      %get3A_55 = vector.load %arg2[%get3A_52, %get3A_53, %get3A_54] : memref<192x8x128xf32, #tpu.memory_space<vmem>>, vector<1x8x128xf32>
      %get3A_56 = vector.shape_cast %get3A_55 : vector<1x8x128xf32> to vector<8x128xf32>
      %sub3A_57 = arith.subf %get3A_49, %get3A_56 : vector<8x128xf32>
      %sub3A_58 = arith.constant 65 : i32
      %sub3A_59 = arith.subi %scan3A_25, %sub3A_58 : i32
      %eq3A_60 = vector.broadcast %sub3A_59 : i32 to vector<8x128xi32>
      %eq3A_61 = arith.cmpi eq, %iota3A, %eq3A_60 : vector<8x128xi32>
      %jit3A_62 = arith.constant -1.000000e+30 : f32
      %broadcast_in_dim3A_63 = vector.broadcast %jit3A_62 : f32 to vector<8x128xf32>
      %select_n3A_64 = arith.select %eq3A_61, %broadcast_in_dim3A_63, %sub3A_57 : vector<8x128xi1>, vector<8x128xf32>
      %add3A_65 = arith.addf %scan3A_26, %sub3A_42 : vector<8x128xf32>
      %broadcast_in_dim3A_66 = arith.constant -1.000000e+30 : f32
      %broadcast_in_dim3A_67 = vector.broadcast %broadcast_in_dim3A_66 : f32 to vector<8x1xf32>
      %slice3A = vector.extract_strided_slice %add3A_65 {offsets = [0, 0], sizes = [8, 127], strides = [1, 1]} : vector<8x128xf32> to vector<8x127xf32>
      %concatenate3A = tpu.concatenate %broadcast_in_dim3A_67, %slice3A in 1 : vector<8x1xf32>, vector<8x127xf32> -> vector<8x128xf32>
      %add3A_68 = arith.addf %scan3A_26, %select_n3A_64 : vector<8x128xf32>
      %max3A = arith.maximumf %concatenate3A, %add3A_68 : vector<8x128xf32>
      %min3A = arith.minimumf %concatenate3A, %add3A_68 : vector<8x128xf32>
      %sub3A_69 = arith.subf %min3A, %max3A : vector<8x128xf32>
      %exp3A = math.exp %sub3A_69 : vector<8x128xf32>
      %log1p3A = math.log1p %exp3A : vector<8x128xf32>
      %add3A_70 = arith.addf %max3A, %log1p3A : vector<8x128xf32>
      %get3A_71 = arith.index_cast %scan3A_25 : i32 to index
      %get3A_72 = arith.constant 0 : index
      %get3A_73 = arith.constant 0 : index
      %get3A_74 = vector.load %arg0[%get3A_71, %get3A_72, %get3A_73] : memref<192x8x128xf32, #tpu.memory_space<vmem>>, vector<1x8x128xf32>
      %get3A_75 = vector.shape_cast %get3A_74 : vector<1x8x128xf32> to vector<8x128xf32>
      %get3A_76 = arith.index_cast %scan3A_25 : i32 to index
      %get3A_77 = arith.constant 0 : index
      %get3A_78 = arith.constant 0 : index
      %get3A_79 = vector.load %arg2[%get3A_76, %get3A_77, %get3A_78] : memref<192x8x128xf32, #tpu.memory_space<vmem>>, vector<1x8x128xf32>
      %get3A_80 = vector.shape_cast %get3A_79 : vector<1x8x128xf32> to vector<8x128xf32>
      %sub3A_81 = arith.subf %get3A_75, %get3A_80 : vector<8x128xf32>
      %eq3A_82 = vector.broadcast %scan3A_25 : i32 to vector<8x1xi32>
      %eq3A_83 = arith.cmpi eq, %add3A, %eq3A_82 : vector<8x1xi32>
      %eq3A_84 = vector.broadcast %sub3A_3 : vector<8x1xi32> to vector<8x128xi32>
      %eq3A_85 = arith.cmpi eq, %iota3A, %eq3A_84 : vector<8x128xi32>
      %and3A = vector.broadcast %eq3A_83 : vector<8x1xi1> to vector<8x128xi1>
      %and3A_86 = arith.andi %and3A, %eq3A_85 : vector<8x128xi1>
      %add3A_87 = arith.addf %add3A_70, %sub3A_81 : vector<8x128xf32>
      %jit3A_88 = arith.constant 0.000000e+00 : f32
      %broadcast_in_dim3A_89 = vector.broadcast %jit3A_88 : f32 to vector<8x128xf32>
      %select_n3A_90 = arith.select %and3A_86, %add3A_87, %broadcast_in_dim3A_89 : vector<8x128xi1>, vector<8x128xf32>
      %add3A_91 = arith.addf %scan3A_27, %select_n3A_90 : vector<8x128xf32>
      scf.yield %add3A_70, %add3A_91 : vector<8x128xf32>, vector<8x128xf32>
    }
    %scan3A_17 = arith.constant 191 : i32
    %reduce_sum3A = arith.constant dense<0.000000e+00> : vector<8xf32>
    %reduce_sum3A_18 = vector.multi_reduction <add>, %scan3A_16#1, %reduce_sum3A [1] : vector<8x128xf32> to vector<8xf32>
    %neg3A = arith.constant 0.000000e+00 : f32
    %neg3A_19 = vector.broadcast %neg3A : f32 to vector<8xf32>
    %neg3A_20 = arith.subf %neg3A_19, %reduce_sum3A_18 : vector<8xf32>
    %swap3A = arith.constant 0 : index
    %swap3A_21 = arith.constant 0 : index
    %swap3A_22 = vector.load %arg5[%swap3A, %swap3A_21] : memref<1x8xf32, #tpu.memory_space<vmem>>, vector<1x8xf32>
    %swap3A_23 = vector.shape_cast %swap3A_22 : vector<1x8xf32> to vector<8xf32>
    %swap3A_24 = vector.shape_cast %neg3A_20 : vector<8xf32> to vector<1x8xf32>
    tpu.vector_store %arg5[%swap3A, %swap3A_21], %swap3A_24 {strides = array<i32>} : memref<1x8xf32, #tpu.memory_space<vmem>>, vector<1x8xf32>,
    return
  }
}

</mosaic_0001>

<sc_bundles>
// kernel: kernel.5.cloned.1.call-start
scs
__scs_entry_jumppad:
0x0: {  	(pc) =	sbr.rel $0x88, $3  }
0x1: {  	(tag) =	ssettag $0x0;
	lr =	simm.s32 $0x1  }
0x2: {  	[smem:$0x3F9C] =	sst lr;
	_ =	strace $0xD0000000  }
0x3: {  	_ = 	snop  }
0x4: {  	_ = 	snop  }
0x5: {  	_ = 	snop  }
0x6: {  	_ = 	snop  }
0x7: {  	_ = 	snop  }
__scs_overlays_trampoline_lowered:
0x8: {  	[smem:$0x3FAB] =	sst s0  }
0x9: {  	[smem:$0x3FAC] =	sst s1  }
0xa: {  	[smem:$0x3FAD] =	sst s2  }
0xb: {  	[smem:$0x3FAE] =	sst s3  }
0xc: {  	[smem:$0x3FAF] =	sst s4  }
0xd: {  	[smem:$0x3FB0] =	sst s5  }
0xe: {  	[smem:$0x3FB1] =	sst s6  }
0xf: {  	[smem:$0x3FB2] =	sst s7  }
0x10: {  	[smem:$0x3FB3] =	sst s8  }
0x11: {  	[smem:$0x3FB4] =	sst s9;
	s0 =	simm.s32 @!p0 $0x0  }
0x12: {  	s1 =	sld [smem:$0x3F9A];
	s0 =	simm.s32 @p0 $0x1  }
0x13: {  	[smem:$0x3FB5] =	sst s0;
	s0 =	simm.s32 @!p1 $0x0  }
0x14: {  	s2 =	sld [smem:$0x3F99];
	s0 =	simm.s32 @p1 $0x1  }
0x15: {  	[smem:$0x3FB6] =	sst s0;
	s0 =	simm.s32 @!p2 $0x0  }
0x16: {  	s3 =	sld [smem:$0x3FDB];
	s0 =	simm.s32 @p2 $0x1  }
0x17: {  	s4 =	simm.s32 $0x1BF5;
	[smem:$0x3FB8] =	sst s0  }
0x18: {  	s0 =	sld [smem:$0x3F9B];
	_ =	swait.ge [sflag:s4], $0x0  }
0x19: {  	s7 =	sld [smem:$0x3F9C]  }
0x1a: {  	s8 =	sadd.s32 $0xFFFFE003, lr  }
0x1b: {  	s9 =	sadd.s32 $0xFFFFFEF7, lr;
	s5 =	simm.s32 $0xFFFFFFFF;
	p2 =	slt.u32 s8, $0xFFFFF086  }
0x1c: {  	p1 =	slt.u32 s9, $0xF7A;
	s5 =	simm.s32 @!p2 $0x0  }
0x1d: {  	s5 =	simm.s32 @p1 $0x1;
	p0 =	seq.s32 s7, s2  }
0x1e: {  	s7 =	smul.u32 @!p0 $0xF7A, s2;
	p2 =	seq.s32 @!p0 s5, $0x0  }
0x1f: {  	s9 =	smul.u32 $0xF7A, s1;
	s8 =	simm.s32 @!p0 $0x1BF5;
	p2 =	por !p2, p0  }
0x20: {  	[sflag:s8] =	ssyncset.s32 @!p0 $0xFFFFF086;
	s6 =	sadd.s32 @!p0 s3, s7;
	s7 =	simm.s32 @!p0 $0x108  }
0x21: {  	s3 =	sadd.s32 s3, s9;
	s6 =	sadd.s32 @!p0 $0x88, s6;
	s7 =	simm.s32 @p2 $0x1082  }
0x22: {  	[simem:s7], [sflag:s8] =	dma.local @!p0 [hbm:s6], $0xF7A  }
0x23: {  	s9 =	sor.u32 $0xD0000000, s2;
	s6 =	simm.s32 $0x108;
	_ =	swait.ge @!p0 [sflag:s8], $0x0  }
0x24: {  	s3 =	sadd.s32 $0x88, s3;
	s6 =	simm.s32 @!p1 $0x1082;
	[sflag:s4] =	ssyncset.s32 $0xFFFFF086  }
0x25: {  	[simem:s6], [sflag:s4] =	dma.local [hbm:s3], $0xF7A  }
0x26: {  	[smem:$0x3F9C] =	sst s1;
	(tag) =	ssettag s2;
	_ =	strace s9  }
0x27: {  	s1 =	sld [smem:$0x3FAC]  }
0x28: {  	s2 =	sld [smem:$0x3FAD]  }
0x29: {  	s4 =	sld [smem:$0x3FAF]  }
0x2a: {  	p0 =	seq.s32 s5, $0x0;
	s5 =	sld [smem:$0x3FB0]  }
0x2b: {  	s6 =	sld [smem:$0x3FB1]  }
0x2c: {  	s7 =	sld [smem:$0x3FB2]  }
0x2d: {  	s3 =	simm.s32 $0x108;
	s8 =	sld [smem:$0x3FB3]  }
0x2e: {  	s3 =	simm.s32 @!p0 $0x1082;
	s9 =	sld [smem:$0x3FB4]  }
0x2f: {  	lr =	sadd.s32 s0, s3;
	s0 =	sld [smem:$0x3FAB]  }
0x30: {  	s3 =	sld [smem:$0x3FAE]  }
0x31: {  	[smem:$0x3FB7] =	sst s10  }
0x32: {  	s10 =	sld [smem:$0x3FB5];
	_ =	sdelay $0x3  }
0x33: {  	p0 =	seq.s32 s10, $0x1;
	s10 =	sld [smem:$0x3FB7];
	_ =	sdelay $0x3  }
0x34: {  	[smem:$0x3FB7] =	sst s10  }
0x35: {  	s10 =	sld [smem:$0x3FB6];
	_ =	sdelay $0x3  }
0x36: {  	p1 =	seq.s32 s10, $0x1;
	s10 =	sld [smem:$0x3FB7];
	_ =	sdelay $0x3  }
0x37: {  	[smem:$0x3FB7] =	sst s10  }
0x38: {  	s10 =	sld [smem:$0x3FB8]  }
0x39: {  	_ = 	snop;
	(pc) =	sbr.ind lr, $3  }
0x3a: {  	_ = 	snop  }
0x3b: {  	_ = 	snop  }
0x3c: {  	p2 =	seq.s32 s10, $0x1;
	s10 =	sld [smem:$0x3FB7]  }
0x3d: {  	_ =	shalt  }
0x3e: {  	_ =	shalt  }
0x3f: {  	_ =	shalt  }
0x40: {  	_ =	shalt  }
0x41: {  	_ =	shalt  }
0x42: {  	_ =	shalt  }
0x43: {  	_ =	shalt  }
0x44: {  	_ =	shalt  }
0x45: {  	_ =	shalt  }
0x46: {  	_ =	shalt  }
0x47: {  	_ =	shalt  }
0x48: {  	_ =	shalt  }
0x49: {  	_ =	shalt  }
0x4a: {  	_ =	shalt  }
0x4b: {  	_ =	shalt  }
0x4c: {  	_ =	shalt  }
0x4d: {  	_ =	shalt  }
0x4e: {  	_ =	shalt  }
0x4f: {  	_ =	shalt  }
0x50: {  	_ =	shalt  }
0x51: {  	_ =	shalt  }
0x52: {  	_ =	shalt  }
0x53: {  	_ =	shalt  }
0x54: {  	_ =	shalt  }
0x55: {  	_ =	shalt  }
0x56: {  	_ =	shalt  }
0x57: {  	_ =	shalt  }
0x58: {  	_ =	shalt  }
0x59: {  	_ =	shalt  }
0x5a: {  	_ =	shalt  }
0x5b: {  	_ =	shalt  }
0x5c: {  	_ =	shalt  }
0x5d: {  	_ =	shalt  }
0x5e: {  	_ =	shalt  }
0x5f: {  	_ =	shalt  }
0x60: {  	_ =	shalt  }
0x61: {  	_ =	shalt  }
0x62: {  	_ =	shalt  }
0x63: {  	_ =	shalt  }
0x64: {  	_ =	shalt  }
0x65: {  	_ =	shalt  }
0x66: {  	_ =	shalt  }
0x67: {  	_ =	shalt  }
0x68: {  	_ =	shalt  }
0x69: {  	_ =	shalt  }
0x6a: {  	_ =	shalt  }
0x6b: {  	_ =	shalt  }
0x6c: {  	_ =	shalt  }
0x6d: {  	_ =	shalt  }
0x6e: {  	_ =	shalt  }
0x6f: {  	_ =	shalt  }
0x70: {  	_ =	shalt  }
0x71: {  	_ =	shalt  }
0x72: {  	_ =	shalt  }
0x73: {  	_ =	shalt  }
0x74: {  	_ =	shalt  }
0x75: {  	_ =	shalt  }
0x76: {  	_ =	shalt  }
0x77: {  	_ =	shalt  }
0x78: {  	_ =	shalt  }
0x79: {  	_ =	shalt  }
0x7a: {  	_ =	shalt  }
0x7b: {  	_ =	shalt  }
0x7c: {  	_ =	shalt  }
0x7d: {  	_ =	shalt  }
0x7e: {  	_ =	shalt  }
0x7f: {  	_ =	shalt  }
0x80: {  	_ =	shalt  }
0x81: {  	_ =	shalt  }
0x82: {  	_ =	shalt  }
0x83: {  	_ =	shalt  }
0x84: {  	_ =	shalt  }
0x85: {  	_ =	shalt  }
0x86: {  	_ =	shalt  }
0x87: {  	_ =	shalt  }
.Lfunc_end0:
.L_simem_size_0:
called_computation_lowered:
.L_overlay_start_0:
0x88: {  	s2 =	sld [smem:$0x3FD9]  }
0x89: {  	s3 =	sld [smem:$0x3FFE];
	_ =	sdelay $0x1  }
0x8a: {  	s1 =	srdreg.scid  }
0x8b: {  	s0 =	sand.u32 $0x1, s1  }
0x8c: {  	s16 =	sshll.u32 s0, $0xA;
	s2 =	sadd.s32 s3, s2  }
0x8d: {  	s2 =	sadd.s32 s2, s16  }
0x8e: {  	[smem:$0x3FC3] =	sst s2  }
0x8f: {  	_ = 	snop  }
0x90: {  	(tm) =	ssettm $0x1  }
0x91: {  	s17 =	sld [smem:$0x3FFB];
	_ =	sdelay $0x3  }
0x92: {  	_ =	strace s17  }
0x93: {  	s2 =	sld [smem:$0x3FFC];
	_ =	sdelay $0x3  }
0x94: {  	_ =	strace s2  }
0x95: {  	s2 =	sld [smem:$0x3FFD];
	_ =	sdelay $0x3  }
0x96: {  	_ =	strace s2  }
0x97: {  	_ =	strace $0x8FFFFFFF  }
0x98: {  	s18 =	sld [smem:$0x3FDB];
	_ =	sdelay $0x1  }
0x99: {  	s19 =	simm.s32 $_scs_section_size  }
0x9a: {  	s4 =	simm.s32 $_size__tile_overlayer_lowered;
	s5 =	simm.s32 $_tile_overlayer_lowered  }
0x9b: {  	s22 =	simm.s32 $0x1BFF;
	s21 =	sshll.u32 s5, $0x1;
	s2 =	sadd.s32 s19, s18  }
0x9c: {  	s6 =	simm.s32 $0x0;
	s20 =	sshll.u32 s4, $0x1;
	s4 =	sadd.s32 s21, s2  }
0x9d: {  	[timem:s6], [sflag:s22] =	dma.local [hbm:s4], s20  }
0x9e: {  	_ =	swait.ge [sflag:s22], s20  }
0x9f: {  	s3 =	ssub.s32 $0x0, s20;
	[sflag:s22] =	ssyncset.done $0x0  }
0xa0: {  	[sflag:s22] =	ssyncadd.s32 s3;
	_ =	sdelay $0x1  }
0xa1: {  	s23 =	simm.s32 $0x1B8B  }
0xa2: {  	_ =	swait.ge [sflag:s23], $0x1  }
0xa3: {  	[sflag:s23] =	ssyncset.done $0x0  }
0xa4: {  	s25 =	simm.s32 $0x1B8E;
	s24 =	sld [smem:$0x3FFE];
	[sflag:s23] =	ssyncadd.s32 $0xFFFFFFFF  }
0xa5: {  	s26 =	simm.s32 $execute0_lowered;
	[smem:$0x3FD2] =	sst s25  }
0xa6: {  	s4 =	sshll.u32 s26, $0x1;
	_ =	strace $0x80000046;
	[dreg:$0x1] =	wrdreg $0xFFFFFFFF  }
0xa7: {  	s28 =	simm.s32 $_size_execute0_lowered;
	s2 =	sadd.s32 s2, s4;
	[dreg:$0x0] =	wrdreg $0x0  }
0xa8: {  	s4 =	sshll.u32 s28, $0x1;
	[dreg:$0x2] =	wrdreg s2  }
0xa9: {  	[dreg:$0x3] =	wrdreg s4  }
0xaa: {  	[dreg:$0x4] =	wrdreg $0xC0  }
0xab: {  	_ =	task [dreg:s6], $0x5FFFF  }
0xac: {  	[dreg:$0x1] =	wrdreg $0xFFFFFFFF  }
0xad: {  	[dreg:$0x0] =	wrdreg $0x60  }
0xae: {  	[dreg:$0x2] =	wrdreg s24  }
0xaf: {  	[dreg:$0x3] =	wrdreg $0x9  }
0xb0: {  	_ =	task.clear_ibuf [dreg:s6], $0x4FFFF;
	_ =	strace $0x90000046  }
0xb1: {  	s29 =	simm.s32 $0x9;
	_ =	strace $0x80000048  }
0xb2: {  	_ =	swait.ge [sflag:s29], $0x1  }
0xb3: {  	[sflag:s29] =	ssyncadd.s32 $0xFFFFFFFF  }
0xb4: {  	_ =	strace $0x90000048  }
0xb5: {  	_ =	sfence  }
0xb6: {  	s30 =	sld [smem:$0x0];
	_ =	sdelay $0x2  }
0xb7: {  	s31 =	sshll.u32 s1, $0xD;
	s1 =	sshrl.u32 s1, $0x2  }
0xb8: {  	s3 =	sand.u32 $0x4000, s31;
	s1 =	sadd.s32 s1, s30  }
0xb9: {  	s0 =	sor.u32 s3, s0;
	s1 =	sshll.u32 s1, $0x11  }
0xba: {  	s0 =	sor.u32 s1, s0  }
0xbb: {  	s0 =	sadd.s32 $0x8F2B, s0  }
0xbc: {  	[sflag:s0] =	ssyncadd.remote.s32 $0x1  }
0xbd: {  	_ =	sfence.sel $0xFFFF  }
0xbe: {  	[dreg:$0x0] =	wrdreg $0xFFFFFFFF;
	(pc) =	sbr.abs _section_cstart, $3  }
0xbf: {  	[dreg:$0x1] =	wrdreg $0xFFFFFFFF  }
0xc0: {  	_ =	task.clear_ibuf [dreg:s6], $0x2FFFF;
	_ =	strace $0x9FFFFFFF  }
0xc1: {  	(tm) =	ssettm $0x7FFFFFFF  }
tec
execute0_lowered:
.L_overlay_start_1:
0x0: {  	(tag) =	ssettag $0x1  }
0x1: {  	s2 =	stileid.u32  }
0x2: {  	s4 =	rddreg [dreg:$0x0];
	s15 =	sshll.u32 s2, $0x1;
	s2 =	simm.s32 $0x0  }
0x3: {  	s16 =	simm.s32 $0x1480;
	[smem:$0x7FF] =	sst s2  }
0x4: {  	s17 =	simm.s32 $0x100;
	_ =	strace $0x80000047;
	[dreg:$0x4] =	wrdreg s16  }
0x5: {  	s18 =	simm.s32 $0x1500;
	[dreg:$0x5] =	wrdreg s17  }
0x6: {  	s19 =	simm.s32 $0x180;
	[dreg:$0x6] =	wrdreg s18  }
0x7: {  	s20 =	simm.s32 $0x1580;
	[dreg:$0x7] =	wrdreg s19  }
0x8: {  	s21 =	simm.s32 $0x200;
	[dreg:$0x8] =	wrdreg s20  }
0x9: {  	s22 =	simm.s32 $0x1600;
	[dreg:$0x9] =	wrdreg s21  }
0xa: {  	s23 =	simm.s32 $0x280;
	[dreg:$0xa] =	wrdreg s22  }
0xb: {  	s24 =	simm.s32 $0x1680;
	[dreg:$0xb] =	wrdreg s23  }
0xc: {  	s25 =	simm.s32 $0x300;
	[dreg:$0xc] =	wrdreg s24  }
0xd: {  	s26 =	simm.s32 $0x1700;
	[dreg:$0xd] =	wrdreg s25  }
0xe: {  	s5 =	simm.s32 $0x1780;
	[dreg:$0xe] =	wrdreg s26  }
0xf: {  	s6 =	simm.s32 $0x400;
	[dreg:$0x10] =	wrdreg s5  }
0x10: {  	s7 =	simm.s32 $0x1800;
	[dreg:$0x11] =	wrdreg s6  }
0x11: {  	s8 =	simm.s32 $0x480;
	[dreg:$0x12] =	wrdreg s7  }
0x12: {  	s9 =	simm.s32 $0x1880;
	[dreg:$0x13] =	wrdreg s8  }
0x13: {  	s10 =	simm.s32 $0x500;
	[dreg:$0x14] =	wrdreg s9  }
0x14: {  	s11 =	simm.s32 $0x1900;
	[dreg:$0x15] =	wrdreg s10  }
0x15: {  	s12 =	simm.s32 $0x580;
	[dreg:$0x16] =	wrdreg s11  }
0x16: {  	s0 =	srdreg.scid;
	s13 =	simm.s32 $0x1980;
	[dreg:$0x17] =	wrdreg s12  }
0x17: {  	s14 =	simm.s32 $0x600;
	s1 =	sand.u32 $0x1, s0;
	[dreg:$0x18] =	wrdreg s13  }
0x18: {  	s0 =	sor.u32 s1, s15;
	s15 =	simm.s32 $0x1A00;
	[dreg:$0x19] =	wrdreg s14  }
0x19: {  	[dreg:$0x1a] =	wrdreg s15;
	s16 =	simm.s32 $0x680  }
0x1a: {  	s17 =	simm.s32 $0x1A80;
	[dreg:$0x1b] =	wrdreg s16  }
0x1b: {  	s18 =	simm.s32 $0x700;
	[dreg:$0x1c] =	wrdreg s17  }
0x1c: {  	s19 =	simm.s32 $0x1B00;
	[dreg:$0x1d] =	wrdreg s18  }
0x1d: {  	s20 =	simm.s32 $0x780;
	[dreg:$0x1e] =	wrdreg s19  }
0x1e: {  	s21 =	simm.s32 $0x1B80;
	[dreg:$0x1f] =	wrdreg s20  }
0x1f: {  	s22 =	simm.s32 $0x800;
	[smem:$0x7E5] =	sst s21  }
0x20: {  	s23 =	simm.s32 $0x1C00;
	[smem:$0x7E7] =	sst s22  }
0x21: {  	s24 =	simm.s32 $0x880;
	[smem:$0x7E6] =	sst s23  }
0x22: {  	s25 =	simm.s32 $0x1C80;
	[smem:$0x7E8] =	sst s24  }
0x23: {  	s26 =	simm.s32 $0x900;
	[smem:$0x7E4] =	sst s25  }
0x24: {  	s5 =	simm.s32 $0x980;
	[smem:$0x7EA] =	sst s26  }
0x25: {  	s6 =	simm.s32 $0x1D80;
	[smem:$0x7EB] =	sst s5  }
0x26: {  	s7 =	simm.s32 $0xA00;
	[smem:$0x7EC] =	sst s6  }
0x27: {  	s8 =	simm.s32 $0x1E00;
	[smem:$0x7F3] =	sst s7  }
0x28: {  	s9 =	simm.s32 $0xA80;
	[smem:$0x7F4] =	sst s8  }
0x29: {  	s10 =	simm.s32 $0x1E80;
	[smem:$0x7F0] =	sst s9  }
0x2a: {  	s11 =	simm.s32 $0xB00;
	[smem:$0x7F1] =	sst s10  }
0x2b: {  	s12 =	simm.s32 $0x1F00;
	[smem:$0x7EF] =	sst s11  }
0x2c: {  	s13 =	simm.s32 $0xB80;
	[smem:$0x7F2] =	sst s12  }
0x2d: {  	s14 =	simm.s32 $0x1F80;
	[smem:$0x7F8] =	sst s13  }
0x2e: {  	s15 =	simm.s32 $0xC00;
	[smem:$0x7F7] =	sst s14  }
0x2f: {  	[smem:$0x7F9] =	sst s15;
	s16 =	simm.s32 $0x2000  }
0x30: {  	s17 =	simm.s32 $0xC80;
	[smem:$0x7F6] =	sst s16  }
0x31: {  	s18 =	simm.s32 $0x2080;
	[smem:$0x7FA] =	sst s17  }
0x32: {  	s19 =	simm.s32 $0xD00;
	[smem:$0x7EE] =	sst s18  }
0x33: {  	s20 =	simm.s32 $0x2100;
	[smem:$0x7FB] =	sst s19  }
0x34: {  	s0 =	smul.u32 $0x280, s0;
	s21 =	simm.s32 $0xD80;
	[smem:$0x7F5] =	sst s20  }
0x35: {  	s22 =	simm.s32 $0x2180;
	[smem:$0x7FC] =	sst s21  }
0x36: {  	s23 =	simm.s32 $0xE00;
	s0 =	sadd.s32 s0, s4;
	[smem:$0x7ED] =	sst s22  }
0x37: {  	[smem:$0x7FD] =	sst s23;
	s3 =	sadd.s32 $0x895200, s0  }
0x38: {  	s0 =	sadd.s32 $0x89A200, s0;
	[dreg:$0x2] =	wrdreg s3  }
0x39: {  	[dreg:$0x3] =	wrdreg s0;
	s3 =	simm.s32 $0x380  }
0x3a: {  	[dreg:$0xf] =	wrdreg s3  }
0x3b: {  	s3 =	simm.s32 $0x1D00;
	s5 =	rddreg [dreg:$0x2]  }
0x3c: {  	[smem:$0x7E9] =	sst s3;
	s3 =	simm.s32 $0x2  }
0x3d: {  	[tilespmem:s2], [sflag:$0x2] =	stream.linear.gather [hbm4b:s5+s2], $0x1400, $0x38;
	[tilespmem:$0x2800] =	vst v63  }
0x3e: {  	_ =	swait.ge [sflag:s3], $0x1400  }
0x3f: {  	s0 =	rddreg [dreg:$0x12]  }
0x40: {  	s7 =	rddreg [dreg:$0xd]  }
0x41: {  	s8 =	sld [smem:$0x7E4]  }
0x42: {  	s9 =	rddreg [dreg:$0xe]  }
0x43: {  	s10 =	sld [smem:$0x7E5]  }
0x44: {  	s11 =	rddreg [dreg:$0xb]  }
0x45: {  	s12 =	rddreg [dreg:$0x1c]  }
0x46: {  	s13 =	rddreg [dreg:$0x9]  }
0x47: {  	s14 =	rddreg [dreg:$0x18]  }
0x48: {  	s15 =	rddreg [dreg:$0x14]  }
0x49: {  	s16 =	rddreg [dreg:$0x7]  }
0x4a: {  	s17 =	rddreg [dreg:$0x10]  }
0x4b: {  	s18 =	rddreg [dreg:$0xa]  }
0x4c: {  	s19 =	rddreg [dreg:$0x8]  }
0x4d: {  	s20 =	rddreg [dreg:$0xc]  }
0x4e: {  	s21 =	rddreg [dreg:$0x5]  }
0x4f: {  	s6 =	simm.s32 $0x80;
	s22 =	rddreg [dreg:$0x4]  }
0x50: {  	s5 =	sadd.s32 $0x485200, s4;
	[sflag:s3] =	ssyncset.done $0x0;
	s23 =	rddreg [dreg:$0x6]  }
0x51: {  	s4 =	simm.s32 $0x1400;
	s24 =	rddreg [dreg:$0x11];
	[sflag:s3] =	ssyncadd.s32 $0xFFFFEC00  }
0x52: {  	[tilespmem:s4], [sflag:$0x1] =	stream.indirect.gather [hbm4b:s5+s6], $0x1, s2, s6, $0xb8;
	[tilespmem:$0x2800] =	vst v63  }
0x53: {  	s25 =	rddreg [dreg:$0x13]  }
0x54: {  	[tilespmem:s22], [sflag:$0x1] =	stream.indirect.gather [hbm4b:s5+s6], $0x1, s6, s6, $0xb8;
	[tilespmem:$0x2800] =	vst v63  }
0x55: {  	s26 =	rddreg [dreg:$0x15]  }
0x56: {  	[tilespmem:s23], [sflag:$0x1] =	stream.indirect.gather [hbm4b:s5+s6], $0x1, s21, s6, $0xb8;
	[tilespmem:$0x2800] =	vst v63  }
0x57: {  	s22 =	rddreg [dreg:$0xf]  }
0x58: {  	[tilespmem:s19], [sflag:$0x1] =	stream.indirect.gather [hbm4b:s5+s6], $0x1, s16, s6, $0xb8;
	[tilespmem:$0x2800] =	vst v63  }
0x59: {  	s21 =	sld [smem:$0x7EB]  }
0x5a: {  	[tilespmem:s18], [sflag:$0x1] =	stream.indirect.gather [hbm4b:s5+s6], $0x1, s13, s6, $0xb8;
	[tilespmem:$0x2800] =	vst v63  }
0x5b: {  	s19 =	rddreg [dreg:$0x16]  }
0x5c: {  	[tilespmem:s20], [sflag:$0x1] =	stream.indirect.gather [hbm4b:s5+s6], $0x1, s11, s6, $0xb8;
	[tilespmem:$0x2800] =	vst v63  }
0x5d: {  	s13 =	rddreg [dreg:$0x17]  }
0x5e: {  	[tilespmem:s9], [sflag:$0x1] =	stream.indirect.gather [hbm4b:s5+s6], $0x1, s7, s6, $0xb8;
	[tilespmem:$0x2800] =	vst v63  }
0x5f: {  	s18 =	rddreg [dreg:$0x1a]  }
0x60: {  	[tilespmem:s17], [sflag:$0x1] =	stream.indirect.gather [hbm4b:s5+s6], $0x1, s22, s6, $0xb8;
	[tilespmem:$0x2800] =	vst v63  }
0x61: {  	s20 =	rddreg [dreg:$0x19]  }
0x62: {  	[tilespmem:s0], [sflag:$0x1] =	stream.indirect.gather [hbm4b:s5+s6], $0x1, s24, s6, $0xb8;
	[tilespmem:$0x2800] =	vst v63  }
0x63: {  	s22 =	rddreg [dreg:$0x1b]  }
0x64: {  	[tilespmem:s15], [sflag:$0x1] =	stream.indirect.gather [hbm4b:s5+s6], $0x1, s25, s6, $0xb8;
	[tilespmem:$0x2800] =	vst v63  }
0x65: {  	s17 =	sld [smem:$0x7E7]  }
0x66: {  	[tilespmem:s19], [sflag:$0x1] =	stream.indirect.gather [hbm4b:s5+s6], $0x1, s26, s6, $0xb8;
	[tilespmem:$0x2800] =	vst v63  }
0x67: {  	s24 =	rddreg [dreg:$0x1e]  }
0x68: {  	[tilespmem:s14], [sflag:$0x1] =	stream.indirect.gather [hbm4b:s5+s6], $0x1, s13, s6, $0xb8;
	[tilespmem:$0x2800] =	vst v63  }
0x69: {  	s25 =	rddreg [dreg:$0x1d]  }
0x6a: {  	[tilespmem:s18], [sflag:$0x1] =	stream.indirect.gather [hbm4b:s5+s6], $0x1, s20, s6, $0xb8;
	[tilespmem:$0x2800] =	vst v63  }
0x6b: {  	s26 =	rddreg [dreg:$0x1f]  }
0x6c: {  	[tilespmem:s12], [sflag:$0x1] =	stream.indirect.gather [hbm4b:s5+s6], $0x1, s22, s6, $0xb8;
	[tilespmem:$0x2800] =	vst v63  }
0x6d: {  	s19 =	sld [smem:$0x7E9]  }
0x6e: {  	[tilespmem:s24], [sflag:$0x1] =	stream.indirect.gather [hbm4b:s5+s6], $0x1, s25, s6, $0xb8;
	[tilespmem:$0x2800] =	vst v63  }
0x6f: {  	s14 =	sld [smem:$0x7E6]  }
0x70: {  	[tilespmem:s10], [sflag:$0x1] =	stream.indirect.gather [hbm4b:s5+s6], $0x1, s26, s6, $0xb8;
	[tilespmem:$0x2800] =	vst v63  }
0x71: {  	s18 =	sld [smem:$0x7E8]  }
0x72: {  	[tilespmem:s14], [sflag:$0x1] =	stream.indirect.gather [hbm4b:s5+s6], $0x1, s17, s6, $0xb8;
	[tilespmem:$0x2800] =	vst v63  }
0x73: {  	s20 =	sld [smem:$0x7EA]  }
0x74: {  	[tilespmem:s8], [sflag:$0x1] =	stream.indirect.gather [hbm4b:s5+s6], $0x1, s18, s6, $0xb8;
	[tilespmem:$0x2800] =	vst v63  }
0x75: {  	s22 =	sld [smem:$0x7EC]  }
0x76: {  	[tilespmem:s19], [sflag:$0x1] =	stream.indirect.gather [hbm4b:s5+s6], $0x1, s20, s6, $0xb8;
	[tilespmem:$0x2800] =	vst v63  }
0x77: {  	s7 =	simm.s32 $0x1  }
0x78: {  	[tilespmem:s22], [sflag:$0x1] =	stream.indirect.gather [hbm4b:s5+s6], $0x1, s21, s6, $0xb8;
	[tilespmem:$0x2800] =	vst v63  }
0x79: {  	_ =	swait.ge [sflag:s7], $0x80  }
0x7a: {  	[sflag:s7] =	ssyncset.done $0x0  }
0x7b: {  	[sflag:s7] =	ssyncadd.s32 $0xFFFFFF80  }
0x7c: {  	_ =	swait.ge [sflag:s7], $0x80  }
0x7d: {  	[sflag:s7] =	ssyncset.done $0x0  }
0x7e: {  	[sflag:s7] =	ssyncadd.s32 $0xFFFFFF80  }
0x7f: {  	_ =	swait.ge [sflag:s7], $0x80  }
0x80: {  	[sflag:s7] =	ssyncset.done $0x0  }
0x81: {  	[sflag:s7] =	ssyncadd.s32 $0xFFFFFF80  }
0x82: {  	_ =	swait.ge [sflag:s7], $0x80  }
0x83: {  	[sflag:s7] =	ssyncset.done $0x0  }
0x84: {  	[sflag:s7] =	ssyncadd.s32 $0xFFFFFF80  }
0x85: {  	_ =	swait.ge [sflag:s7], $0x80  }
0x86: {  	[sflag:s7] =	ssyncset.done $0x0  }
0x87: {  	[sflag:s7] =	ssyncadd.s32 $0xFFFFFF80  }
0x88: {  	_ =	swait.ge [sflag:s7], $0x80  }
0x89: {  	[sflag:s7] =	ssyncset.done $0x0  }
0x8a: {  	[sflag:s7] =	ssyncadd.s32 $0xFFFFFF80  }
0x8b: {  	_ =	swait.ge [sflag:s7], $0x80  }
0x8c: {  	[sflag:s7] =	ssyncset.done $0x0  }
0x8d: {  	[sflag:s7] =	ssyncadd.s32 $0xFFFFFF80  }
0x8e: {  	_ =	swait.ge [sflag:s7], $0x80  }
0x8f: {  	[sflag:s7] =	ssyncset.done $0x0  }
0x90: {  	[sflag:s7] =	ssyncadd.s32 $0xFFFFFF80  }
0x91: {  	_ =	swait.ge [sflag:s7], $0x80  }
0x92: {  	[sflag:s7] =	ssyncset.done $0x0  }
0x93: {  	[sflag:s7] =	ssyncadd.s32 $0xFFFFFF80  }
0x94: {  	_ =	swait.ge [sflag:s7], $0x80  }
0x95: {  	[sflag:s7] =	ssyncset.done $0x0  }
0x96: {  	[sflag:s7] =	ssyncadd.s32 $0xFFFFFF80  }
0x97: {  	_ =	swait.ge [sflag:s7], $0x80  }
0x98: {  	[sflag:s7] =	ssyncset.done $0x0  }
0x99: {  	[sflag:s7] =	ssyncadd.s32 $0xFFFFFF80  }
0x9a: {  	_ =	swait.ge [sflag:s7], $0x80  }
0x9b: {  	[sflag:s7] =	ssyncset.done $0x0  }
0x9c: {  	[sflag:s7] =	ssyncadd.s32 $0xFFFFFF80  }
0x9d: {  	_ =	swait.ge [sflag:s7], $0x80  }
0x9e: {  	[sflag:s7] =	ssyncset.done $0x0  }
0x9f: {  	[sflag:s7] =	ssyncadd.s32 $0xFFFFFF80  }
0xa0: {  	_ =	swait.ge [sflag:s7], $0x80  }
0xa1: {  	[sflag:s7] =	ssyncset.done $0x0  }
0xa2: {  	[sflag:s7] =	ssyncadd.s32 $0xFFFFFF80  }
0xa3: {  	_ =	swait.ge [sflag:s7], $0x80  }
0xa4: {  	[sflag:s7] =	ssyncset.done $0x0  }
0xa5: {  	[sflag:s7] =	ssyncadd.s32 $0xFFFFFF80  }
0xa6: {  	_ =	swait.ge [sflag:s7], $0x80  }
0xa7: {  	[sflag:s7] =	ssyncset.done $0x0  }
0xa8: {  	[sflag:s7] =	ssyncadd.s32 $0xFFFFFF80  }
0xa9: {  	_ =	swait.ge [sflag:s7], $0x80  }
0xaa: {  	[sflag:s7] =	ssyncset.done $0x0  }
0xab: {  	[sflag:s7] =	ssyncadd.s32 $0xFFFFFF80  }
0xac: {  	_ =	swait.ge [sflag:s7], $0x80  }
0xad: {  	[sflag:s7] =	ssyncset.done $0x0  }
0xae: {  	[sflag:s7] =	ssyncadd.s32 $0xFFFFFF80  }
0xaf: {  	_ =	swait.ge [sflag:s7], $0x80  }
0xb0: {  	[sflag:s7] =	ssyncset.done $0x0  }
0xb1: {  	[sflag:s7] =	ssyncadd.s32 $0xFFFFFF80  }
0xb2: {  	_ =	swait.ge [sflag:s7], $0x80  }
0xb3: {  	s0 =	sld [smem:$0x7ED]  }
0xb4: {  	s8 =	sld [smem:$0x7EE]  }
0xb5: {  	s23 =	sld [smem:$0x7EF]  }
0xb6: {  	s24 =	sld [smem:$0x7F0]  }
0xb7: {  	s25 =	sld [smem:$0x7F1]  }
0xb8: {  	s26 =	sld [smem:$0x7F2]  }
0xb9: {  	s15 =	sld [smem:$0x7F3]  }
0xba: {  	s16 =	sld [smem:$0x7F4]  }
0xbb: {  	[sflag:s7] =	ssyncset.done $0x0;
	s17 =	sld [smem:$0x7F5]  }
0xbc: {  	s18 =	sld [smem:$0x7F6];
	[sflag:s7] =	ssyncadd.s32 $0xFFFFFF80  }
0xbd: {  	[tilespmem:s16], [sflag:$0x1] =	stream.indirect.gather [hbm4b:s5+s6], $0x1, s15, s6, $0xb8;
	[tilespmem:$0x2800] =	vst v63  }
0xbe: {  	s19 =	sld [smem:$0x7F7]  }
0xbf: {  	[tilespmem:s25], [sflag:$0x1] =	stream.indirect.gather [hbm4b:s5+s6], $0x1, s24, s6, $0xb8;
	[tilespmem:$0x2800] =	vst v63  }
0xc0: {  	s20 =	sld [smem:$0x7F8]  }
0xc1: {  	[tilespmem:s26], [sflag:$0x1] =	stream.indirect.gather [hbm4b:s5+s6], $0x1, s23, s6, $0xb8;
	[tilespmem:$0x2800] =	vst v63  }
0xc2: {  	s21 =	sld [smem:$0x7F9]  }
0xc3: {  	[tilespmem:s19], [sflag:$0x1] =	stream.indirect.gather [hbm4b:s5+s6], $0x1, s20, s6, $0xb8;
	[tilespmem:$0x2800] =	vst v63  }
0xc4: {  	s22 =	sld [smem:$0x7FA]  }
0xc5: {  	[tilespmem:s18], [sflag:$0x1] =	stream.indirect.gather [hbm4b:s5+s6], $0x1, s21, s6, $0xb8;
	[tilespmem:$0x2800] =	vst v63  }
0xc6: {  	s23 =	sld [smem:$0x7FB]  }
0xc7: {  	[tilespmem:s8], [sflag:$0x1] =	stream.indirect.gather [hbm4b:s5+s6], $0x1, s22, s6, $0xb8;
	[tilespmem:$0x2800] =	vst v63  }
0xc8: {  	s24 =	sld [smem:$0x7FC]  }
0xc9: {  	[tilespmem:s17], [sflag:$0x1] =	stream.indirect.gather [hbm4b:s5+s6], $0x1, s23, s6, $0xb8;
	[tilespmem:$0x2800] =	vst v63  }
0xca: {  	s25 =	sld [smem:$0x7FD]  }
0xcb: {  	[tilespmem:s0], [sflag:$0x1] =	stream.indirect.gather [hbm4b:s5+s6], $0x1, s24, s6, $0xb8;
	[tilespmem:$0x2800] =	vst v63  }
0xcc: {  	s26 =	simm.s32 $0x2200  }
0xcd: {  	[tilespmem:s26], [sflag:$0x1] =	stream.indirect.gather [hbm4b:s5+s6], $0x1, s25, s6, $0xb8;
	[tilespmem:$0x2800] =	vst v63  }
0xce: {  	s9 =	simm.s32 $0x2280;
	s8 =	simm.s32 $0xE80  }
0xcf: {  	[tilespmem:s9], [sflag:$0x1] =	stream.indirect.gather [hbm4b:s5+s6], $0x1, s8, s6, $0xb8;
	[tilespmem:$0x2800] =	vst v63  }
0xd0: {  	s11 =	simm.s32 $0x2300;
	s10 =	simm.s32 $0xF00  }
0xd1: {  	[tilespmem:s11], [sflag:$0x1] =	stream.indirect.gather [hbm4b:s5+s6], $0x1, s10, s6, $0xb8;
	[tilespmem:$0x2800] =	vst v63  }
0xd2: {  	s13 =	simm.s32 $0x2380;
	s12 =	simm.s32 $0xF80  }
0xd3: {  	[tilespmem:s13], [sflag:$0x1] =	stream.indirect.gather [hbm4b:s5+s6], $0x1, s12, s6, $0xb8;
	[tilespmem:$0x2800] =	vst v63  }
0xd4: {  	s14 =	simm.s32 $0x1000;
	s15 =	simm.s32 $0x2400  }
0xd5: {  	[tilespmem:s15], [sflag:$0x1] =	stream.indirect.gather [hbm4b:s5+s6], $0x1, s14, s6, $0xb8;
	[tilespmem:$0x2800] =	vst v63  }
0xd6: {  	s16 =	simm.s32 $0x1080;
	s17 =	simm.s32 $0x2480  }
0xd7: {  	[tilespmem:s17], [sflag:$0x1] =	stream.indirect.gather [hbm4b:s5+s6], $0x1, s16, s6, $0xb8;
	[tilespmem:$0x2800] =	vst v63  }
0xd8: {  	s19 =	simm.s32 $0x2500;
	s18 =	simm.s32 $0x1100  }
0xd9: {  	[tilespmem:s19], [sflag:$0x1] =	stream.indirect.gather [hbm4b:s5+s6], $0x1, s18, s6, $0xb8;
	[tilespmem:$0x2800] =	vst v63  }
0xda: {  	s20 =	simm.s32 $0x1180;
	s21 =	simm.s32 $0x2580  }
0xdb: {  	[tilespmem:s21], [sflag:$0x1] =	stream.indirect.gather [hbm4b:s5+s6], $0x1, s20, s6, $0xb8;
	[tilespmem:$0x2800] =	vst v63  }
0xdc: {  	s22 =	simm.s32 $0x1200;
	s23 =	simm.s32 $0x2600  }
0xdd: {  	[tilespmem:s23], [sflag:$0x1] =	stream.indirect.gather [hbm4b:s5+s6], $0x1, s22, s6, $0xb8;
	[tilespmem:$0x2800] =	vst v63  }
0xde: {  	s24 =	simm.s32 $0x1280;
	s25 =	simm.s32 $0x2680  }
0xdf: {  	[tilespmem:s25], [sflag:$0x1] =	stream.indirect.gather [hbm4b:s5+s6], $0x1, s24, s6, $0xb8;
	[tilespmem:$0x2800] =	vst v63  }
0xe0: {  	s28 =	simm.s32 $0x1300;
	s29 =	simm.s32 $0x2700  }
0xe1: {  	[tilespmem:s29], [sflag:$0x1] =	stream.indirect.gather [hbm4b:s5+s6], $0x1, s28, s6, $0xb8;
	[tilespmem:$0x2800] =	vst v63  }
0xe2: {  	s30 =	simm.s32 $0x1380;
	s31 =	simm.s32 $0x2780  }
0xe3: {  	[tilespmem:s31], [sflag:$0x1] =	stream.indirect.gather [hbm4b:s5+s6], $0x1, s30, s6, $0xb8;
	[tilespmem:$0x2800] =	vst v63  }
0xe4: {  	_ =	swait.ge [sflag:s7], $0x80  }
0xe5: {  	[sflag:s7] =	ssyncset.done $0x0  }
0xe6: {  	[sflag:s7] =	ssyncadd.s32 $0xFFFFFF80  }
0xe7: {  	_ =	swait.ge [sflag:s7], $0x80  }
0xe8: {  	[sflag:s7] =	ssyncset.done $0x0  }
0xe9: {  	[sflag:s7] =	ssyncadd.s32 $0xFFFFFF80  }
0xea: {  	_ =	swait.ge [sflag:s7], $0x80  }
0xeb: {  	[sflag:s7] =	ssyncset.done $0x0  }
0xec: {  	[sflag:s7] =	ssyncadd.s32 $0xFFFFFF80  }
0xed: {  	_ =	swait.ge [sflag:s7], $0x80  }
0xee: {  	[sflag:s7] =	ssyncset.done $0x0  }
0xef: {  	[sflag:s7] =	ssyncadd.s32 $0xFFFFFF80  }
0xf0: {  	_ =	swait.ge [sflag:s7], $0x80  }
0xf1: {  	[sflag:s7] =	ssyncset.done $0x0  }
0xf2: {  	[sflag:s7] =	ssyncadd.s32 $0xFFFFFF80  }
0xf3: {  	_ =	swait.ge [sflag:s7], $0x80  }
0xf4: {  	[sflag:s7] =	ssyncset.done $0x0  }
0xf5: {  	[sflag:s7] =	ssyncadd.s32 $0xFFFFFF80  }
0xf6: {  	_ =	swait.ge [sflag:s7], $0x80  }
0xf7: {  	[sflag:s7] =	ssyncset.done $0x0  }
0xf8: {  	[sflag:s7] =	ssyncadd.s32 $0xFFFFFF80  }
0xf9: {  	_ =	swait.ge [sflag:s7], $0x80  }
0xfa: {  	[sflag:s7] =	ssyncset.done $0x0  }
0xfb: {  	[sflag:s7] =	ssyncadd.s32 $0xFFFFFF80  }
0xfc: {  	_ =	swait.ge [sflag:s7], $0x80  }
0xfd: {  	[sflag:s7] =	ssyncset.done $0x0  }
0xfe: {  	[sflag:s7] =	ssyncadd.s32 $0xFFFFFF80  }
0xff: {  	_ =	swait.ge [sflag:s7], $0x80  }
0x100: {  	s26 =	ssub.s32 $0x2, s1;
	[sflag:s7] =	ssyncset.done $0x0  }
0x101: {  	s1 =	sshrl.u32 s26, $0x1;
	[sflag:s7] =	ssyncadd.s32 $0xFFFFFF80  }
0x102: {  	s0 =	ssub.s32 s26, s1;
	_ =	swait.ge [sflag:s7], $0x80  }
0x103: {  	s0 =	smax.u32 s0, $0x1;
	[sflag:s7] =	ssyncset.done $0x0  }
0x104: {  	p0 =	sne.s32 s0, $0x1;
	[sflag:s7] =	ssyncadd.s32 $0xFFFFFF80  }
.Ltmp0:
0x105: {  	_ =	swait.ge [sflag:s7], $0x80;
	(pc) =	sbr.rel @!p0 .LBB2_2-.Ltmp0, $4  }
0x106: {  	[sflag:s7] =	ssyncset.done $0x0  }
0x107: {  	[sflag:s7] =	ssyncadd.s32 $0xFFFFFF80  }
0x108: {  	_ =	swait.ge [sflag:s7], $0x80  }
0x109: {  	s1 =	sadd.s32 $0xFFFFFFFF, s0;
	[sflag:s7] =	ssyncset.done $0x0  }
.LBB2_1:
0x10a: {  	[sflag:s7] =	ssyncadd.s32 $0xFFFFFF80  }
0x10b: {  	_ =	swait.ge [sflag:s7], $0x80  }
0x10c: {  	[sflag:s7] =	ssyncset.done $0x0  }
0x10d: {  	[sflag:s7] =	ssyncadd.s32 $0xFFFFFF80  }
0x10e: {  	_ =	swait.ge [sflag:s7], $0x80  }
0x10f: {  	[sflag:s7] =	ssyncset.done $0x0  }
0x110: {  	[sflag:s7] =	ssyncadd.s32 $0xFFFFFF80  }
0x111: {  	_ =	swait.ge [sflag:s7], $0x80  }
0x112: {  	[sflag:s7] =	ssyncset.done $0x0  }
0x113: {  	[sflag:s7] =	ssyncadd.s32 $0xFFFFFF80  }
0x114: {  	_ =	swait.ge [sflag:s7], $0x80  }
0x115: {  	[sflag:s7] =	ssyncset.done $0x0  }
0x116: {  	[sflag:s7] =	ssyncadd.s32 $0xFFFFFF80  }
0x117: {  	_ =	swait.ge [sflag:s7], $0x80  }
0x118: {  	[sflag:s7] =	ssyncset.done $0x0  }
0x119: {  	[sflag:s7] =	ssyncadd.s32 $0xFFFFFF80  }
0x11a: {  	_ =	swait.ge [sflag:s7], $0x80  }
0x11b: {  	[sflag:s7] =	ssyncset.done $0x0  }
0x11c: {  	[sflag:s7] =	ssyncadd.s32 $0xFFFFFF80  }
0x11d: {  	_ =	swait.ge [sflag:s7], $0x80  }
0x11e: {  	[sflag:s7] =	ssyncset.done $0x0  }
0x11f: {  	s0 =	rddreg [dreg:$0x3];
	[sflag:s7] =	ssyncadd.s32 $0xFFFFFF80  }
0x120: {  	[hbm4b:s0+s2] =	stream.linear.scatter [tilespmem:s4], [sflag:$0x2], $0x1400, $0x38;
	[tilespmem:$0x2800] =	vst v63  }
0x121: {  	_ =	swait.ge [sflag:s3], $0x1400  }
0x122: {  	[sflag:s3] =	ssyncset.done $0x0  }
0x123: {  	s18 =	rddreg [dreg:$0x2];
	[sflag:s3] =	ssyncadd.s32 $0xFFFFEC00  }
0x124: {  	[tilespmem:s2], [sflag:$0x2] =	stream.linear.gather [hbm4b:s18+s2], $0x1400, $0x38;
	[tilespmem:$0x2800] =	vst v63  }
0x125: {  	_ =	swait.ge [sflag:s3], $0x1400  }
0x126: {  	s10 =	rddreg [dreg:$0x12]  }
0x127: {  	s12 =	rddreg [dreg:$0xd]  }
0x128: {  	s0 =	sld [smem:$0x7E4]  }
0x129: {  	s13 =	rddreg [dreg:$0xe]  }
0x12a: {  	s8 =	sld [smem:$0x7E5]  }
0x12b: {  	s14 =	rddreg [dreg:$0xb]  }
0x12c: {  	s9 =	rddreg [dreg:$0x1c]  }
0x12d: {  	s15 =	rddreg [dreg:$0x9]  }
0x12e: {  	s11 =	rddreg [dreg:$0x18]  }
0x12f: {  	s16 =	rddreg [dreg:$0x14]  }
0x130: {  	s17 =	rddreg [dreg:$0x7]  }
0x131: {  	s18 =	rddreg [dreg:$0x10]  }
0x132: {  	s19 =	rddreg [dreg:$0xa]  }
0x133: {  	s20 =	rddreg [dreg:$0x8]  }
0x134: {  	s21 =	rddreg [dreg:$0xc]  }
0x135: {  	s22 =	rddreg [dreg:$0x5]  }
0x136: {  	s23 =	rddreg [dreg:$0x4]  }
0x137: {  	[sflag:s3] =	ssyncset.done $0x0;
	s24 =	rddreg [dreg:$0x6]  }
0x138: {  	s25 =	rddreg [dreg:$0xf];
	[sflag:s3] =	ssyncadd.s32 $0xFFFFEC00  }
0x139: {  	[tilespmem:s4], [sflag:$0x1] =	stream.indirect.gather [hbm4b:s5+s6], $0x1, s2, s6, $0xb8;
	[tilespmem:$0x2800] =	vst v63  }
0x13a: {  	s26 =	rddreg [dreg:$0x11]  }
0x13b: {  	[tilespmem:s23], [sflag:$0x1] =	stream.indirect.gather [hbm4b:s5+s6], $0x1, s6, s6, $0xb8;
	[tilespmem:$0x2800] =	vst v63  }
0x13c: {  	s23 =	rddreg [dreg:$0x13]  }
0x13d: {  	[tilespmem:s24], [sflag:$0x1] =	stream.indirect.gather [hbm4b:s5+s6], $0x1, s22, s6, $0xb8;
	[tilespmem:$0x2800] =	vst v63  }
0x13e: {  	s22 =	rddreg [dreg:$0x16]  }
0x13f: {  	[tilespmem:s20], [sflag:$0x1] =	stream.indirect.gather [hbm4b:s5+s6], $0x1, s17, s6, $0xb8;
	[tilespmem:$0x2800] =	vst v63  }
0x140: {  	s24 =	rddreg [dreg:$0x1b]  }
0x141: {  	[tilespmem:s19], [sflag:$0x1] =	stream.indirect.gather [hbm4b:s5+s6], $0x1, s15, s6, $0xb8;
	[tilespmem:$0x2800] =	vst v63  }
0x142: {  	s17 =	rddreg [dreg:$0x15]  }
0x143: {  	[tilespmem:s21], [sflag:$0x1] =	stream.indirect.gather [hbm4b:s5+s6], $0x1, s14, s6, $0xb8;
	[tilespmem:$0x2800] =	vst v63  }
0x144: {  	s20 =	rddreg [dreg:$0x1a]  }
0x145: {  	[tilespmem:s13], [sflag:$0x1] =	stream.indirect.gather [hbm4b:s5+s6], $0x1, s12, s6, $0xb8;
	[tilespmem:$0x2800] =	vst v63  }
0x146: {  	s19 =	rddreg [dreg:$0x17]  }
0x147: {  	[tilespmem:s18], [sflag:$0x1] =	stream.indirect.gather [hbm4b:s5+s6], $0x1, s25, s6, $0xb8;
	[tilespmem:$0x2800] =	vst v63  }
0x148: {  	s21 =	rddreg [dreg:$0x19]  }
0x149: {  	[tilespmem:s10], [sflag:$0x1] =	stream.indirect.gather [hbm4b:s5+s6], $0x1, s26, s6, $0xb8;
	[tilespmem:$0x2800] =	vst v63  }
0x14a: {  	s25 =	rddreg [dreg:$0x1e]  }
0x14b: {  	[tilespmem:s16], [sflag:$0x1] =	stream.indirect.gather [hbm4b:s5+s6], $0x1, s23, s6, $0xb8;
	[tilespmem:$0x2800] =	vst v63  }
0x14c: {  	s18 =	rddreg [dreg:$0x1f]  }
0x14d: {  	[tilespmem:s22], [sflag:$0x1] =	stream.indirect.gather [hbm4b:s5+s6], $0x1, s17, s6, $0xb8;
	[tilespmem:$0x2800] =	vst v63  }
0x14e: {  	s26 =	rddreg [dreg:$0x1d]  }
0x14f: {  	[tilespmem:s11], [sflag:$0x1] =	stream.indirect.gather [hbm4b:s5+s6], $0x1, s19, s6, $0xb8;
	[tilespmem:$0x2800] =	vst v63  }
0x150: {  	s23 =	sld [smem:$0x7EA]  }
0x151: {  	[tilespmem:s20], [sflag:$0x1] =	stream.indirect.gather [hbm4b:s5+s6], $0x1, s21, s6, $0xb8;
	[tilespmem:$0x2800] =	vst v63  }
0x152: {  	s22 =	sld [smem:$0x7E9]  }
0x153: {  	[tilespmem:s9], [sflag:$0x1] =	stream.indirect.gather [hbm4b:s5+s6], $0x1, s24, s6, $0xb8;
	[tilespmem:$0x2800] =	vst v63  }
0x154: {  	s19 =	sld [smem:$0x7E6]  }
0x155: {  	[tilespmem:s25], [sflag:$0x1] =	stream.indirect.gather [hbm4b:s5+s6], $0x1, s26, s6, $0xb8;
	[tilespmem:$0x2800] =	vst v63  }
0x156: {  	s20 =	sld [smem:$0x7E7]  }
0x157: {  	[tilespmem:s8], [sflag:$0x1] =	stream.indirect.gather [hbm4b:s5+s6], $0x1, s18, s6, $0xb8;
	[tilespmem:$0x2800] =	vst v63  }
0x158: {  	s21 =	sld [smem:$0x7E8]  }
0x159: {  	[tilespmem:s19], [sflag:$0x1] =	stream.indirect.gather [hbm4b:s5+s6], $0x1, s20, s6, $0xb8;
	[tilespmem:$0x2800] =	vst v63  }
0x15a: {  	s24 =	sld [smem:$0x7EB]  }
0x15b: {  	[tilespmem:s0], [sflag:$0x1] =	stream.indirect.gather [hbm4b:s5+s6], $0x1, s21, s6, $0xb8;
	[tilespmem:$0x2800] =	vst v63  }
0x15c: {  	s25 =	sld [smem:$0x7EC]  }
0x15d: {  	[tilespmem:s22], [sflag:$0x1] =	stream.indirect.gather [hbm4b:s5+s6], $0x1, s23, s6, $0xb8;
	[tilespmem:$0x2800] =	vst v63  }
0x15e: {  	_ = 	snop  }
0x15f: {  	[tilespmem:s25], [sflag:$0x1] =	stream.indirect.gather [hbm4b:s5+s6], $0x1, s24, s6, $0xb8;
	[tilespmem:$0x2800] =	vst v63  }
0x160: {  	_ =	swait.ge [sflag:s7], $0x80  }
0x161: {  	[sflag:s7] =	ssyncset.done $0x0  }
0x162: {  	[sflag:s7] =	ssyncadd.s32 $0xFFFFFF80  }
0x163: {  	_ =	swait.ge [sflag:s7], $0x80  }
0x164: {  	[sflag:s7] =	ssyncset.done $0x0  }
0x165: {  	[sflag:s7] =	ssyncadd.s32 $0xFFFFFF80  }
0x166: {  	_ =	swait.ge [sflag:s7], $0x80  }
0x167: {  	[sflag:s7] =	ssyncset.done $0x0  }
0x168: {  	[sflag:s7] =	ssyncadd.s32 $0xFFFFFF80  }
0x169: {  	_ =	swait.ge [sflag:s7], $0x80  }
0x16a: {  	[sflag:s7] =	ssyncset.done $0x0  }
0x16b: {  	[sflag:s7] =	ssyncadd.s32 $0xFFFFFF80  }
0x16c: {  	_ =	swait.ge [sflag:s7], $0x80  }
0x16d: {  	[sflag:s7] =	ssyncset.done $0x0  }
0x16e: {  	[sflag:s7] =	ssyncadd.s32 $0xFFFFFF80  }
0x16f: {  	_ =	swait.ge [sflag:s7], $0x80  }
0x170: {  	[sflag:s7] =	ssyncset.done $0x0  }
0x171: {  	[sflag:s7] =	ssyncadd.s32 $0xFFFFFF80  }
0x172: {  	_ =	swait.ge [sflag:s7], $0x80  }
0x173: {  	[sflag:s7] =	ssyncset.done $0x0  }
0x174: {  	[sflag:s7] =	ssyncadd.s32 $0xFFFFFF80  }
0x175: {  	_ =	swait.ge [sflag:s7], $0x80  }
0x176: {  	[sflag:s7] =	ssyncset.done $0x0  }
0x177: {  	[sflag:s7] =	ssyncadd.s32 $0xFFFFFF80  }
0x178: {  	_ =	swait.ge [sflag:s7], $0x80  }
0x179: {  	[sflag:s7] =	ssyncset.done $0x0  }
0x17a: {  	[sflag:s7] =	ssyncadd.s32 $0xFFFFFF80  }
0x17b: {  	_ =	swait.ge [sflag:s7], $0x80  }
0x17c: {  	[sflag:s7] =	ssyncset.done $0x0  }
0x17d: {  	[sflag:s7] =	ssyncadd.s32 $0xFFFFFF80  }
0x17e: {  	_ =	swait.ge [sflag:s7], $0x80  }
0x17f: {  	[sflag:s7] =	ssyncset.done $0x0  }
0x180: {  	[sflag:s7] =	ssyncadd.s32 $0xFFFFFF80  }
0x181: {  	_ =	swait.ge [sflag:s7], $0x80  }
0x182: {  	[sflag:s7] =	ssyncset.done $0x0  }
0x183: {  	[sflag:s7] =	ssyncadd.s32 $0xFFFFFF80  }
0x184: {  	_ =	swait.ge [sflag:s7], $0x80  }
0x185: {  	[sflag:s7] =	ssyncset.done $0x0  }
0x186: {  	[sflag:s7] =	ssyncadd.s32 $0xFFFFFF80  }
0x187: {  	_ =	swait.ge [sflag:s7], $0x80  }
0x188: {  	[sflag:s7] =	ssyncset.done $0x0  }
0x189: {  	[sflag:s7] =	ssyncadd.s32 $0xFFFFFF80  }
0x18a: {  	_ =	swait.ge [sflag:s7], $0x80  }
0x18b: {  	[sflag:s7] =	ssyncset.done $0x0  }
0x18c: {  	[sflag:s7] =	ssyncadd.s32 $0xFFFFFF80  }
0x18d: {  	_ =	swait.ge [sflag:s7], $0x80  }
0x18e: {  	[sflag:s7] =	ssyncset.done $0x0  }
0x18f: {  	[sflag:s7] =	ssyncadd.s32 $0xFFFFFF80  }
0x190: {  	_ =	swait.ge [sflag:s7], $0x80  }
0x191: {  	[sflag:s7] =	ssyncset.done $0x0  }
0x192: {  	[sflag:s7] =	ssyncadd.s32 $0xFFFFFF80  }
0x193: {  	_ =	swait.ge [sflag:s7], $0x80  }
0x194: {  	[sflag:s7] =	ssyncset.done $0x0  }
0x195: {  	[sflag:s7] =	ssyncadd.s32 $0xFFFFFF80  }
0x196: {  	_ =	swait.ge [sflag:s7], $0x80  }
0x197: {  	[sflag:s7] =	ssyncset.done $0x0  }
0x198: {  	[sflag:s7] =	ssyncadd.s32 $0xFFFFFF80  }
0x199: {  	_ =	swait.ge [sflag:s7], $0x80  }
0x19a: {  	s0 =	sld [smem:$0x7ED]  }
0x19b: {  	s9 =	sld [smem:$0x7EE]  }
0x19c: {  	s26 =	sld [smem:$0x7EF]  }
0x19d: {  	s12 =	sld [smem:$0x7F0]  }
0x19e: {  	s13 =	sld [smem:$0x7F1]  }
0x19f: {  	s16 =	sld [smem:$0x7F2]  }
0x1a0: {  	s17 =	sld [smem:$0x7F3]  }
0x1a1: {  	s18 =	sld [smem:$0x7F4]  }
0x1a2: {  	[sflag:s7] =	ssyncset.done $0x0;
	s19 =	sld [smem:$0x7F5]  }
0x1a3: {  	s20 =	sld [smem:$0x7F6];
	[sflag:s7] =	ssyncadd.s32 $0xFFFFFF80  }
0x1a4: {  	[tilespmem:s18], [sflag:$0x1] =	stream.indirect.gather [hbm4b:s5+s6], $0x1, s17, s6, $0xb8;
	[tilespmem:$0x2800] =	vst v63  }
0x1a5: {  	s21 =	sld [smem:$0x7F7]  }
0x1a6: {  	[tilespmem:s13], [sflag:$0x1] =	stream.indirect.gather [hbm4b:s5+s6], $0x1, s12, s6, $0xb8;
	[tilespmem:$0x2800] =	vst v63  }
0x1a7: {  	s22 =	sld [smem:$0x7F8]  }
0x1a8: {  	[tilespmem:s16], [sflag:$0x1] =	stream.indirect.gather [hbm4b:s5+s6], $0x1, s26, s6, $0xb8;
	[tilespmem:$0x2800] =	vst v63  }
0x1a9: {  	s23 =	sld [smem:$0x7F9]  }
0x1aa: {  	[tilespmem:s21], [sflag:$0x1] =	stream.indirect.gather [hbm4b:s5+s6], $0x1, s22, s6, $0xb8;
	[tilespmem:$0x2800] =	vst v63  }
0x1ab: {  	s24 =	sld [smem:$0x7FA]  }
0x1ac: {  	[tilespmem:s20], [sflag:$0x1] =	stream.indirect.gather [hbm4b:s5+s6], $0x1, s23, s6, $0xb8;
	[tilespmem:$0x2800] =	vst v63  }
0x1ad: {  	s25 =	sld [smem:$0x7FB]  }
0x1ae: {  	[tilespmem:s9], [sflag:$0x1] =	stream.indirect.gather [hbm4b:s5+s6], $0x1, s24, s6, $0xb8;
	[tilespmem:$0x2800] =	vst v63  }
0x1af: {  	s8 =	sld [smem:$0x7FC]  }
0x1b0: {  	[tilespmem:s19], [sflag:$0x1] =	stream.indirect.gather [hbm4b:s5+s6], $0x1, s25, s6, $0xb8;
	[tilespmem:$0x2800] =	vst v63  }
0x1b1: {  	s26 =	sld [smem:$0x7FD]  }
0x1b2: {  	[tilespmem:s0], [sflag:$0x1] =	stream.indirect.gather [hbm4b:s5+s6], $0x1, s8, s6, $0xb8;
	[tilespmem:$0x2800] =	vst v63  }
0x1b3: {  	s8 =	simm.s32 $0x2200  }
0x1b4: {  	[tilespmem:s8], [sflag:$0x1] =	stream.indirect.gather [hbm4b:s5+s6], $0x1, s26, s6, $0xb8;
	[tilespmem:$0x2800] =	vst v63  }
0x1b5: {  	s10 =	simm.s32 $0x2280;
	s9 =	simm.s32 $0xE80  }
0x1b6: {  	[tilespmem:s10], [sflag:$0x1] =	stream.indirect.gather [hbm4b:s5+s6], $0x1, s9, s6, $0xb8;
	[tilespmem:$0x2800] =	vst v63  }
0x1b7: {  	s11 =	simm.s32 $0xF00;
	s12 =	simm.s32 $0x2300  }
0x1b8: {  	[tilespmem:s12], [sflag:$0x1] =	stream.indirect.gather [hbm4b:s5+s6], $0x1, s11, s6, $0xb8;
	[tilespmem:$0x2800] =	vst v63  }
0x1b9: {  	s14 =	simm.s32 $0x2380;
	s13 =	simm.s32 $0xF80  }
0x1ba: {  	[tilespmem:s14], [sflag:$0x1] =	stream.indirect.gather [hbm4b:s5+s6], $0x1, s13, s6, $0xb8;
	[tilespmem:$0x2800] =	vst v63  }
0x1bb: {  	s15 =	simm.s32 $0x1000;
	s16 =	simm.s32 $0x2400  }
0x1bc: {  	[tilespmem:s16], [sflag:$0x1] =	stream.indirect.gather [hbm4b:s5+s6], $0x1, s15, s6, $0xb8;
	[tilespmem:$0x2800] =	vst v63  }
0x1bd: {  	s17 =	simm.s32 $0x1080;
	s18 =	simm.s32 $0x2480  }
0x1be: {  	[tilespmem:s18], [sflag:$0x1] =	stream.indirect.gather [hbm4b:s5+s6], $0x1, s17, s6, $0xb8;
	[tilespmem:$0x2800] =	vst v63  }
0x1bf: {  	s20 =	simm.s32 $0x2500;
	s19 =	simm.s32 $0x1100  }
0x1c0: {  	[tilespmem:s20], [sflag:$0x1] =	stream.indirect.gather [hbm4b:s5+s6], $0x1, s19, s6, $0xb8;
	[tilespmem:$0x2800] =	vst v63  }
0x1c1: {  	s21 =	simm.s32 $0x1180;
	s22 =	simm.s32 $0x2580  }
0x1c2: {  	[tilespmem:s22], [sflag:$0x1] =	stream.indirect.gather [hbm4b:s5+s6], $0x1, s21, s6, $0xb8;
	[tilespmem:$0x2800] =	vst v63  }
0x1c3: {  	s23 =	simm.s32 $0x1200;
	s24 =	simm.s32 $0x2600  }
0x1c4: {  	[tilespmem:s24], [sflag:$0x1] =	stream.indirect.gather [hbm4b:s5+s6], $0x1, s23, s6, $0xb8;
	[tilespmem:$0x2800] =	vst v63  }
0x1c5: {  	s25 =	simm.s32 $0x1280;
	s26 =	simm.s32 $0x2680  }
0x1c6: {  	[tilespmem:s26], [sflag:$0x1] =	stream.indirect.gather [hbm4b:s5+s6], $0x1, s25, s6, $0xb8;
	[tilespmem:$0x2800] =	vst v63  }
0x1c7: {  	_ = 	snop  }
0x1c8: {  	[tilespmem:s29], [sflag:$0x1] =	stream.indirect.gather [hbm4b:s5+s6], $0x1, s28, s6, $0xb8;
	[tilespmem:$0x2800] =	vst v63  }
0x1c9: {  	_ = 	snop  }
0x1ca: {  	[tilespmem:s31], [sflag:$0x1] =	stream.indirect.gather [hbm4b:s5+s6], $0x1, s30, s6, $0xb8;
	[tilespmem:$0x2800] =	vst v63  }
0x1cb: {  	_ =	swait.ge [sflag:s7], $0x80  }
0x1cc: {  	[sflag:s7] =	ssyncset.done $0x0  }
0x1cd: {  	[sflag:s7] =	ssyncadd.s32 $0xFFFFFF80  }
0x1ce: {  	_ =	swait.ge [sflag:s7], $0x80  }
0x1cf: {  	[sflag:s7] =	ssyncset.done $0x0  }
0x1d0: {  	[sflag:s7] =	ssyncadd.s32 $0xFFFFFF80  }
0x1d1: {  	_ =	swait.ge [sflag:s7], $0x80  }
0x1d2: {  	[sflag:s7] =	ssyncset.done $0x0  }
0x1d3: {  	[sflag:s7] =	ssyncadd.s32 $0xFFFFFF80  }
0x1d4: {  	_ =	swait.ge [sflag:s7], $0x80  }
0x1d5: {  	[sflag:s7] =	ssyncset.done $0x0  }
0x1d6: {  	[sflag:s7] =	ssyncadd.s32 $0xFFFFFF80  }
0x1d7: {  	_ =	swait.ge [sflag:s7], $0x80  }
0x1d8: {  	[sflag:s7] =	ssyncset.done $0x0  }
0x1d9: {  	[sflag:s7] =	ssyncadd.s32 $0xFFFFFF80  }
0x1da: {  	_ =	swait.ge [sflag:s7], $0x80  }
0x1db: {  	[sflag:s7] =	ssyncset.done $0x0  }
0x1dc: {  	[sflag:s7] =	ssyncadd.s32 $0xFFFFFF80  }
0x1dd: {  	_ =	swait.ge [sflag:s7], $0x80  }
0x1de: {  	[sflag:s7] =	ssyncset.done $0x0  }
0x1df: {  	[sflag:s7] =	ssyncadd.s32 $0xFFFFFF80  }
0x1e0: {  	_ =	swait.ge [sflag:s7], $0x80  }
0x1e1: {  	[sflag:s7] =	ssyncset.done $0x0  }
0x1e2: {  	[sflag:s7] =	ssyncadd.s32 $0xFFFFFF80  }
0x1e3: {  	_ =	swait.ge [sflag:s7], $0x80  }
0x1e4: {  	[sflag:s7] =	ssyncset.done $0x0  }
0x1e5: {  	[sflag:s7] =	ssyncadd.s32 $0xFFFFFF80  }
0x1e6: {  	_ =	swait.ge [sflag:s7], $0x80  }
0x1e7: {  	[sflag:s7] =	ssyncset.done $0x0  }
0x1e8: {  	[sflag:s7] =	ssyncadd.s32 $0xFFFFFF80  }
0x1e9: {  	_ =	swait.ge [sflag:s7], $0x80  }
0x1ea: {  	[sflag:s7] =	ssyncset.done $0x0  }
0x1eb: {  	p0 =	sne.s32 s1, $0x1;
	[sflag:s7] =	ssyncadd.s32 $0xFFFFFF80  }
.Ltmp1:
0x1ec: {  	_ =	swait.ge [sflag:s7], $0x80;
	(pc) =	sbr.rel @p0 .LBB2_1-.Ltmp1, $4  }
0x1ed: {  	[sflag:s7] =	ssyncset.done $0x0  }
0x1ee: {  	[sflag:s7] =	ssyncadd.s32 $0xFFFFFF80  }
0x1ef: {  	_ =	swait.ge [sflag:s7], $0x80  }
0x1f0: {  	s1 =	sadd.s32 $0xFFFFFFFF, s1;
	[sflag:s7] =	ssyncset.done $0x0  }
.LBB2_2:
0x1f1: {  	[sflag:s7] =	ssyncadd.s32 $0xFFFFFF80  }
0x1f2: {  	_ =	swait.ge [sflag:s7], $0x80  }
0x1f3: {  	[sflag:s7] =	ssyncset.done $0x0  }
0x1f4: {  	[sflag:s7] =	ssyncadd.s32 $0xFFFFFF80  }
0x1f5: {  	_ =	swait.ge [sflag:s7], $0x80  }
0x1f6: {  	[sflag:s7] =	ssyncset.done $0x0  }
0x1f7: {  	[sflag:s7] =	ssyncadd.s32 $0xFFFFFF80  }
0x1f8: {  	_ =	swait.ge [sflag:s7], $0x80  }
0x1f9: {  	[sflag:s7] =	ssyncset.done $0x0  }
0x1fa: {  	[sflag:s7] =	ssyncadd.s32 $0xFFFFFF80  }
0x1fb: {  	_ =	swait.ge [sflag:s7], $0x80  }
0x1fc: {  	[sflag:s7] =	ssyncset.done $0x0  }
0x1fd: {  	[sflag:s7] =	ssyncadd.s32 $0xFFFFFF80  }
0x1fe: {  	_ =	swait.ge [sflag:s7], $0x80  }
0x1ff: {  	[sflag:s7] =	ssyncset.done $0x0  }
0x200: {  	[sflag:s7] =	ssyncadd.s32 $0xFFFFFF80  }
0x201: {  	_ =	swait.ge [sflag:s7], $0x80  }
0x202: {  	[sflag:s7] =	ssyncset.done $0x0  }
0x203: {  	[sflag:s7] =	ssyncadd.s32 $0xFFFFFF80  }
0x204: {  	_ =	swait.ge [sflag:s7], $0x80  }
0x205: {  	[sflag:s7] =	ssyncset.done $0x0  }
0x206: {  	s0 =	rddreg [dreg:$0x3];
	[sflag:s7] =	ssyncadd.s32 $0xFFFFFF80  }
0x207: {  	[hbm4b:s0+s2] =	stream.linear.scatter [tilespmem:s4], [sflag:$0x2], $0x1400, $0x38;
	[tilespmem:$0x2800] =	vst v63  }
0x208: {  	_ =	swait.ge [sflag:s3], $0x1400  }
0x209: {  	[sflag:s3] =	ssyncset.done $0x0  }
0x20a: {  	[sflag:s3] =	ssyncadd.s32 $0xFFFFEC00  }
0x20b: {  	_ =	sfence.sel $0x180000  }
0x20c: {  	[bflag:$0x0] =	sbarrier.arrive $0xFFFF  }
0x20d: {  	_ =	strace $0x90000047  }
0x20e: {  	s31 =	stileid.u32;
	[bflag:$0x2] =	sbarrier.arrive $0xFFFF  }
0x20f: {  	p0 =	sne.s32 s31, $0x0;
	s0 =	rddreg [dreg:$0x1]  }
0x210: {  	s0 =	sadd.s32 @!p0 $0x100000, s0  }
0x211: {  	[sflag:s0] =	ssyncadd.tile.s32 @!p0 $0x1;
	_ =	shalt  }
.Lfunc_end2:
_tile_overlayer_lowered:
.L_overlay_start_2:
0x212: {  	(tag) =	ssettag $0x2  }
0x213: {  	s0 =	rddreg [dreg:$0x0];
	s2 =	stileid.u32  }
0x214: {  	s1 =	rddreg [dreg:$0x1];
	p0 =	sne.s32 s2, $0x0  }
0x215: {  	s3 =	rddreg [dreg:$0x2];
	[bflag:$0x3] =	sbarrier.arrive $0xFFFF;
	s2 =	simm.s32 @!p0 $0x1C02  }
0x216: {  	[timem:s3], [sflag:s2] =	dma.local @!p0 [hbm:s0], s1  }
0x217: {  	s0 =	simm.s32 @!p0 $0x2  }
0x218: {  	_ =	swait.ge @!p0 [sflag:s0], s1  }
0x219: {  	s1 =	ssub.s32 @!p0 $0x0, s1;
	[sflag:s0] =	ssyncset.done @!p0 $0x0  }
0x21a: {  	[sflag:s0] =	ssyncadd.s32 @!p0 s1  }
0x21b: {  	[bflag:$0x3] =	sbarrier.arrive $0xFFFF  }
0x21c: {  	_ =	shalt  }

</sc_bundles>
